<compile_context>
chip_gen: v7x
topology: tpu7x:2x2x1
jax: 0.10.2.dev20260603
libtpu: 0.0.44.dev20260713+nightly
codegen_flags: <defaults>
</compile_context>

<pallas_src>
import functools

import jax
import jax.numpy as jnp
from jax import lax
from jax.experimental import pallas as pl
from jax.experimental.pallas import tpu as pltpu
from jax.experimental.pallas import tpu_sc as plsc

N = 10000
E = 320000
D = 128

NC = 2
NS = 16
NW = NC * NS
L = 16

EPW = E // NW
CH = 80
NCHUNK = EPW // CH
NPAIR = (NCHUNK - 1) // 2
NFL = 7
RPS = CH * NFL
NEXTRA = (N - NS * RPS) // CH

assert EPW * NW == E and NCHUNK * CH == EPW and CH % 8 == 0
assert NCHUNK == 2 * NPAIR + 1
assert NS * RPS + NEXTRA * CH == N and NEXTRA <= NS


def _agg_body(x_hbm, src_hbm, dst_hbm, iota_hbm, zrow_hbm, z16_hbm, e0_hbm,
              acc_out, deg_out,
              src_v, dst_v, rows_v, ones_v,
              src_b, dst_b, rows_b, acc_sh, deg_sh, sem, sem_b):
  c = lax.axis_index("c")
  s = lax.axis_index("s")
  wid = c * NS + s

  r0 = s * RPS

  def _blk_off(j):
    extra = jnp.where(s < NEXTRA, NS * RPS + s * CH, r0)
    return jnp.where(j < NFL, r0 + j * CH, extra)

  pltpu.sync_copy(zrow_hbm, rows_v)
  pltpu.sync_copy(z16_hbm, ones_v)

  @pl.loop(0, NFL + 1)
  def _init(j):
    off = _blk_off(j)
    pltpu.sync_copy(iota_hbm.at[pl.ds(off, CH)], src_v)
    pltpu.sync_copy(rows_v, acc_sh.at[src_v])
    pltpu.sync_copy(ones_v, deg_sh.at[src_v])

  pltpu.sync_copy(e0_hbm, ones_v)

  plsc.subcore_barrier()

  base = wid * EPW

  def _load_idx(k, sv, dv):
    off = base + k * CH
    pltpu.sync_copy(src_hbm.at[pl.ds(off, CH)], sv)
    pltpu.sync_copy(dst_hbm.at[pl.ds(off, CH)], dv)

  def _scatter(rv, dv):
    pltpu.sync_copy(rv, acc_sh.at[dv], add=True)
    pltpu.sync_copy(ones_v, deg_sh.at[dv], add=True)

  _load_idx(0, src_v, dst_v)
  pltpu.make_async_copy(x_hbm.at[src_v], rows_v, sem).start()

  @pl.loop(0, NPAIR)
  def _pair(t):
    _load_idx(2 * t + 1, src_b, dst_b)
    pltpu.make_async_copy(x_hbm.at[src_b], rows_b, sem_b).start()
    pltpu.make_async_copy(x_hbm.at[src_v], rows_v, sem).wait()
    _scatter(rows_v, dst_v)
    _load_idx(2 * t + 2, src_v, dst_v)
    pltpu.make_async_copy(x_hbm.at[src_v], rows_v, sem).start()
    pltpu.make_async_copy(x_hbm.at[src_b], rows_b, sem_b).wait()
    _scatter(rows_b, dst_b)

  pltpu.make_async_copy(x_hbm.at[src_v], rows_v, sem).wait()
  _scatter(rows_v, dst_v)

  plsc.subcore_barrier()

  @pl.loop(0, NFL + 1)
  def _flush(j):
    off = _blk_off(j)
    pltpu.sync_copy(iota_hbm.at[pl.ds(off, CH)], src_v)
    pltpu.async_copy(acc_sh.at[src_v], rows_v, sem).wait()
    pltpu.sync_copy(rows_v, acc_out.at[c, pl.ds(off, CH)])
    pltpu.async_copy(deg_sh.at[src_v], ones_v, sem).wait()
    pltpu.sync_copy(ones_v, deg_out.at[c, pl.ds(off, CH)])


_agg = pl.kernel(
    _agg_body,
    out_type=(
        jax.ShapeDtypeStruct((NC, N, D), jnp.float32),
        jax.ShapeDtypeStruct((NC, N, L), jnp.float32),
    ),
    mesh=plsc.VectorSubcoreMesh(
        core_axis_name="c", subcore_axis_name="s",
        num_cores=NC, num_subcores=NS),
    compiler_params=pltpu.CompilerParams(use_tc_tiling_on_sc=False),
    scratch_types=[
        pltpu.VMEM((CH,), jnp.int32),
        pltpu.VMEM((CH,), jnp.int32),
        pltpu.VMEM((CH, D), jnp.float32),
        pltpu.VMEM((CH, L), jnp.float32),
        pltpu.VMEM((CH,), jnp.int32),
        pltpu.VMEM((CH,), jnp.int32),
        pltpu.VMEM((CH, D), jnp.float32),
        pltpu.VMEM_SHARED((N, D), jnp.float32),
        pltpu.VMEM_SHARED((N, L), jnp.float32),
        pltpu.SemaphoreType.DMA,
        pltpu.SemaphoreType.DMA,
    ],
)


def _dense_body(relu, x_ref, acca_ref, accb_ref, dega_ref, degb_ref,
                wst_ref, wnt_ref, b_ref, out_ref):
  deg = dega_ref[:, 0:1] + degb_ref[:, 0:1]
  dinv = 1.0 / jnp.maximum(deg, 1.0)
  hn = (acca_ref[...] + accb_ref[...]) * dinv
  h = (jnp.dot(x_ref[...], wst_ref[...], preferred_element_type=jnp.float32)
       + jnp.dot(hn, wnt_ref[...], preferred_element_type=jnp.float32)
       + b_ref[...])
  if relu:
    h = jnp.maximum(h, 0.0)
  out_ref[...] = h


BR = 1000


def _dense(x, acc, deg, w_self, w_neigh, b, relu):
  row_spec = pl.BlockSpec((BR, D), lambda i: (i, 0))
  deg_spec = pl.BlockSpec((BR, L), lambda i: (i, 0))
  full_spec = pl.BlockSpec((D, D), lambda i: (0, 0))
  b_spec = pl.BlockSpec((1, D), lambda i: (0, 0))
  return pl.pallas_call(
      functools.partial(_dense_body, relu),
      grid=(N // BR,),
      in_specs=[row_spec, row_spec, row_spec, deg_spec, deg_spec,
                full_spec, full_spec, b_spec],
      out_specs=row_spec,
      out_shape=jax.ShapeDtypeStruct((N, D), jnp.float32),
  )(x, acc[0], acc[1], deg[0], deg[1],
    w_self.T, w_neigh.T, b.reshape(1, D))


def kernel(feat, edge_index1, edge_index2, W_self1, W_neigh1, b1,
           W_self2, W_neigh2, b2):
  src1 = edge_index1[0].astype(jnp.int32)
  dst1 = edge_index1[1].astype(jnp.int32)
  src2 = edge_index2[0].astype(jnp.int32)
  dst2 = edge_index2[1].astype(jnp.int32)
  iota = jnp.arange(N, dtype=jnp.int32)
  zrow = jnp.zeros((CH, D), jnp.float32)
  z16 = jnp.zeros((CH, L), jnp.float32)
  e0 = jnp.zeros((CH, L), jnp.float32).at[:, 0].set(1.0)

  acc1, deg1 = _agg(feat, src1, dst1, iota, zrow, z16, e0)
  h1 = _dense(feat, acc1, deg1, W_self1, W_neigh1, b1, relu=True)
  acc2, deg2 = _agg(h1, src2, dst2, iota, zrow, z16, e0)
  return _dense(h1, acc2, deg2, W_self2, W_neigh2, b2, relu=False)

# --- scband reference (transcript-rebuilt; emitter-appended) ---
"""Pipeline reference for scband-graph-sage-dgl-55594056680296 (READ-ONLY COPY).

The authoritative reference and input builder live on the scoring server;
editing this copy changes nothing except your own understanding.
"""

import jax, jax.numpy as jnp
import numpy as np

N_NODES = 10000
N_EDGES = 320000
D = 128


def setup_inputs(seed: int = 0) -> dict:
    key = jax.random.key(seed)
    ks = jax.random.split(key, 10)
    feat = jax.random.normal(ks[0], (N_NODES, D), dtype=jnp.float32)
    edge_index1 = jax.random.randint(ks[1], (2, N_EDGES), 0, N_NODES, dtype=jnp.int64)
    edge_index2 = jax.random.randint(ks[2], (2, N_EDGES), 0, N_NODES, dtype=jnp.int64)
    s = 1.0 / np.sqrt(D)
    W_self1 = jax.random.uniform(ks[3], (D, D), jnp.float32, -s, s)
    W_neigh1 = jax.random.uniform(ks[4], (D, D), jnp.float32, -s, s)
    b1 = jnp.zeros((D,), jnp.float32)
    W_self2 = jax.random.uniform(ks[5], (D, D), jnp.float32, -s, s)
    W_neigh2 = jax.random.uniform(ks[6], (D, D), jnp.float32, -s, s)
    b2 = jnp.zeros((D,), jnp.float32)
    return {"feat": feat, "edge_index1": edge_index1, "edge_index2": edge_index2,
            "W_self1": W_self1, "W_neigh1": W_neigh1, "b1": b1,
            "W_self2": W_self2, "W_neigh2": W_neigh2, "b2": b2}


def _sage_layer(x_src, x_dst, src, dst, W_self, W_neigh, b, n_dst):
    # DGL SAGEConv, aggregator_type='mean': mean over incoming neighbors, then
    # fc_neigh(h_neigh) + fc_self(h_dst) + bias
    msgs = jnp.take(x_src, src, axis=0)
    agg = jax.ops.segment_sum(msgs, dst, num_segments=n_dst)
    deg = jax.ops.segment_sum(jnp.ones((src.shape[0],), x_src.dtype), dst, num_segments=n_dst)
    h_neigh = agg / jnp.clip(deg, 1.0, None)[:, None]
    return x_dst @ W_self.T + h_neigh @ W_neigh.T + b


def reference(feat, edge_index1, edge_index2, W_self1, W_neigh1, b1, W_self2, W_neigh2, b2):
    n_dst = feat.shape[0]
    # layer 1: full-graph MFG, h_dst = feat[:num_dst_nodes] == feat
    h = _sage_layer(feat, feat, edge_index1[0], edge_index1[1], W_self1, W_neigh1, b1, n_dst)
    h = jax.nn.relu(h)  # dropout p=0.0 is identity
    # layer 2 (output layer, no activation)
    h = _sage_layer(h, h, edge_index2[0], edge_index2[1], W_self2, W_neigh2, b2, n_dst)
    return h

if __name__ == "__main__":
    import jax
    _d = setup_inputs()
    print(jax.jit(kernel)(*tuple(_d.values())))

</pallas_src>

<mosaic_0001>
#map = affine_map<(d0, d1) -> (0, 0)>
#map1 = affine_map<(d0, d1) -> (0)>
#map2 = affine_map<(d0, d1) -> (0, 0, 0)>
module attributes {stable_mosaic.version = 14 : i64} {
  func.func @_agg_body(%arg0: i32, %arg1: i32, %arg2: memref<10000x128xf32, #tpu.memory_space<hbm>>, %arg3: memref<320000xi32, #tpu.memory_space<hbm>>, %arg4: memref<320000xi32, #tpu.memory_space<hbm>>, %arg5: memref<10000xi32, #tpu.memory_space<hbm>>, %arg6: memref<80x128xf32, #tpu.memory_space<hbm>>, %arg7: memref<80x16xf32, #tpu.memory_space<hbm>>, %arg8: memref<80x16xf32, #tpu.memory_space<hbm>>, %arg9: memref<2x10000x128xf32, #tpu.memory_space<hbm>>, %arg10: memref<2x10000x16xf32, #tpu.memory_space<hbm>>, %arg11: memref<80xi32, #tpu.memory_space<vmem>>, %arg12: memref<80xi32, #tpu.memory_space<vmem>>, %arg13: memref<80x128xf32, #tpu.memory_space<vmem>>, %arg14: memref<80x16xf32, #tpu.memory_space<vmem>>, %arg15: memref<80xi32, #tpu.memory_space<vmem>>, %arg16: memref<80xi32, #tpu.memory_space<vmem>>, %arg17: memref<80x128xf32, #tpu.memory_space<vmem>>, %arg18: memref<10000x128xf32, #tpu.memory_space<vmem_shared>>, %arg19: memref<10000x16xf32, #tpu.memory_space<vmem_shared>>, %arg20: memref<!tpu.dma_semaphore, #tpu.memory_space<semaphore_mem>>, %arg21: memref<!tpu.dma_semaphore, #tpu.memory_space<semaphore_mem>>) attributes {dimension_semantics = [#tpu.dimension_semantics<core_parallel>, #tpu.dimension_semantics<subcore_parallel>], iteration_bounds = array<i64: 2, 16>, scalar_prefetch = 0 : i64, scratch_operands = 11 : i64, tpu.core_type = #tpu.core_type<sc_vector_subcore>, window_params = [{transform_indices = #map}, {transform_indices = #map1}, {transform_indices = #map1}, {transform_indices = #map1}, {transform_indices = #map}, {transform_indices = #map}, {transform_indices = #map}, {transform_indices = #map2}, {transform_indices = #map2}]} {
    %mul3A = arith.constant 16 : i32
    %mul3A_0 = arith.muli %arg0, %mul3A : i32
    %add3A = arith.addi %mul3A_0, %arg1 : i32
    %mul3A_1 = arith.constant 560 : i32
    %mul3A_2 = arith.muli %arg1, %mul3A_1 : i32
    "tpu.region"() ({
      %run_scoped3A = tpu.sem_alloc : memref<!tpu.dma_semaphore, #tpu.memory_space<semaphore_mem>>
      tpu.enqueue_dma source(%arg6 : memref<80x128xf32, #tpu.memory_space<hbm>>) target(%arg13 : memref<80x128xf32, #tpu.memory_space<vmem>>) target_semaphore(%run_scoped3A : memref<!tpu.dma_semaphore, #tpu.memory_space<semaphore_mem>>)
      tpu.wait_dma2 semaphore(%run_scoped3A : memref<!tpu.dma_semaphore, #tpu.memory_space<semaphore_mem>>) src(%arg6 : memref<80x128xf32, #tpu.memory_space<hbm>>) dst(%arg13 : memref<80x128xf32, #tpu.memory_space<vmem>>)
      tpu.yield
    }) : () -> ()
    "tpu.region"() ({
      %run_scoped3A = tpu.sem_alloc : memref<!tpu.dma_semaphore, #tpu.memory_space<semaphore_mem>>
      tpu.enqueue_dma source(%arg7 : memref<80x16xf32, #tpu.memory_space<hbm>>) target(%arg14 : memref<80x16xf32, #tpu.memory_space<vmem>>) target_semaphore(%run_scoped3A : memref<!tpu.dma_semaphore, #tpu.memory_space<semaphore_mem>>)
      tpu.wait_dma2 semaphore(%run_scoped3A : memref<!tpu.dma_semaphore, #tpu.memory_space<semaphore_mem>>) src(%arg7 : memref<80x16xf32, #tpu.memory_space<hbm>>) dst(%arg14 : memref<80x16xf32, #tpu.memory_space<vmem>>)
      tpu.yield
    }) : () -> ()
    %scan3A = arith.constant 0 : i32
    %scan3A_3 = arith.constant 8 : i32
    %scan3A_4 = arith.addi %scan3A, %scan3A_3 : i32
    %scan3A_5 = arith.constant 1 : i32
    scf.for %scan3A_26 = %scan3A to %scan3A_4 step %scan3A_5  : i32 {
      %mul3A_27 = arith.constant 1 : i32
      %mul3A_28 = arith.muli %scan3A_26, %mul3A_27 : i32
      %add3A_29 = arith.constant 0 : i32
      %add3A_30 = arith.addi %add3A_29, %mul3A_28 : i32
      %lt3A = arith.constant 13 : i32
      %lt3A_31 = arith.cmpi slt, %arg1, %lt3A : i32
      %mul3A_32 = arith.constant 80 : i32
      %mul3A_33 = arith.muli %arg1, %mul3A_32 : i32
      %add3A_34 = arith.constant 8960 : i32
      %add3A_35 = arith.addi %add3A_34, %mul3A_33 : i32
      %select_n3A = arith.select %lt3A_31, %add3A_35, %mul3A_2 : i32
      %lt3A_36 = arith.constant 7 : i32
      %lt3A_37 = arith.cmpi slt, %add3A_30, %lt3A_36 : i32
      %mul3A_38 = arith.constant 80 : i32
      %mul3A_39 = arith.muli %add3A_30, %mul3A_38 : i32
      %add3A_40 = arith.addi %mul3A_2, %mul3A_39 : i32
      %select_n3A_41 = arith.select %lt3A_37, %add3A_40, %select_n3A : i32
      "tpu.region"() ({
        %run_scoped3A = tpu.sem_alloc : memref<!tpu.dma_semaphore, #tpu.memory_space<semaphore_mem>>
        %dma_start3A_42 = tpu.memref_slice %arg5[%select_n3A_41] : memref<10000xi32, #tpu.memory_space<hbm>> -> memref<80xi32, #tpu.memory_space<hbm>>
        %dma_start3A_43 = tpu.memref_slice %arg5[%select_n3A_41] : memref<10000xi32, #tpu.memory_space<hbm>> -> memref<80xi32, #tpu.memory_space<hbm>>
        tpu.enqueue_dma source(%dma_start3A_43 : memref<80xi32, #tpu.memory_space<hbm>>) target(%arg11 : memref<80xi32, #tpu.memory_space<vmem>>) target_semaphore(%run_scoped3A : memref<!tpu.dma_semaphore, #tpu.memory_space<semaphore_mem>>)
        %dma_wait3A_44 = tpu.memref_slice %arg5[%select_n3A_41] : memref<10000xi32, #tpu.memory_space<hbm>> -> memref<80xi32, #tpu.memory_space<hbm>>
        %dma_wait3A_45 = tpu.memref_slice %arg5[%select_n3A_41] : memref<10000xi32, #tpu.memory_space<hbm>> -> memref<80xi32, #tpu.memory_space<hbm>>
        tpu.wait_dma2 semaphore(%run_scoped3A : memref<!tpu.dma_semaphore, #tpu.memory_space<semaphore_mem>>) src(%dma_wait3A_45 : memref<80xi32, #tpu.memory_space<hbm>>) dst(%arg11 : memref<80xi32, #tpu.memory_space<vmem>>)
        tpu.yield
      }) : () -> ()
      "tpu.region"() ({
        %run_scoped3A = tpu.sem_alloc : memref<!tpu.dma_semaphore, #tpu.memory_space<semaphore_mem>>
        %dma_start3A_42 = arith.constant 0 : i32
        %dma_start3A_43 = arith.constant 0 : i32
        %dma_start3A_44 = tpu.memref_slice %arg18[%dma_start3A_42, %dma_start3A_43] : memref<10000x128xf32, #tpu.memory_space<vmem_shared>> -> memref<10000x128xf32, #tpu.memory_space<vmem_shared>>
        tpu.enqueue_indirect_dma source(%arg13 : memref<80x128xf32, #tpu.memory_space<vmem>>) target(%dma_start3A_44 : memref<10000x128xf32, #tpu.memory_space<vmem_shared>>) offsets(%arg11 : memref<80xi32, #tpu.memory_space<vmem>>) semaphore(%run_scoped3A : memref<!tpu.dma_semaphore, #tpu.memory_space<semaphore_mem>>)
        %dma_wait3A_45 = arith.constant 0 : i32
        %dma_wait3A_46 = arith.constant 0 : i32
        %dma_wait3A_47 = tpu.memref_slice %arg18[%dma_wait3A_45, %dma_wait3A_46] : memref<10000x128xf32, #tpu.memory_space<vmem_shared>> -> memref<10000x128xf32, #tpu.memory_space<vmem_shared>>
        tpu.wait_indirect_dma semaphore(%run_scoped3A : memref<!tpu.dma_semaphore, #tpu.memory_space<semaphore_mem>>) src(%arg13 : memref<80x128xf32, #tpu.memory_space<vmem>>) dst(%dma_wait3A_47 : memref<10000x128xf32, #tpu.memory_space<vmem_shared>>)
        tpu.yield
      }) : () -> ()
      "tpu.region"() ({
        %run_scoped3A = tpu.sem_alloc : memref<!tpu.dma_semaphore, #tpu.memory_space<semaphore_mem>>
        %dma_start3A_42 = arith.constant 0 : i32
        %dma_start3A_43 = arith.constant 0 : i32
        %dma_start3A_44 = tpu.memref_slice %arg19[%dma_start3A_42, %dma_start3A_43] : memref<10000x16xf32, #tpu.memory_space<vmem_shared>> -> memref<10000x16xf32, #tpu.memory_space<vmem_shared>>
        tpu.enqueue_indirect_dma source(%arg14 : memref<80x16xf32, #tpu.memory_space<vmem>>) target(%dma_start3A_44 : memref<10000x16xf32, #tpu.memory_space<vmem_shared>>) offsets(%arg11 : memref<80xi32, #tpu.memory_space<vmem>>) semaphore(%run_scoped3A : memref<!tpu.dma_semaphore, #tpu.memory_space<semaphore_mem>>)
        %dma_wait3A_45 = arith.constant 0 : i32
        %dma_wait3A_46 = arith.constant 0 : i32
        %dma_wait3A_47 = tpu.memref_slice %arg19[%dma_wait3A_45, %dma_wait3A_46] : memref<10000x16xf32, #tpu.memory_space<vmem_shared>> -> memref<10000x16xf32, #tpu.memory_space<vmem_shared>>
        tpu.wait_indirect_dma semaphore(%run_scoped3A : memref<!tpu.dma_semaphore, #tpu.memory_space<semaphore_mem>>) src(%arg14 : memref<80x16xf32, #tpu.memory_space<vmem>>) dst(%dma_wait3A_47 : memref<10000x16xf32, #tpu.memory_space<vmem_shared>>)
        tpu.yield
      }) : () -> ()
    }
    %scan3A_6 = arith.constant 8 : i32
    "tpu.region"() ({
      %run_scoped3A = tpu.sem_alloc : memref<!tpu.dma_semaphore, #tpu.memory_space<semaphore_mem>>
      tpu.enqueue_dma source(%arg8 : memref<80x16xf32, #tpu.memory_space<hbm>>) target(%arg14 : memref<80x16xf32, #tpu.memory_space<vmem>>) target_semaphore(%run_scoped3A : memref<!tpu.dma_semaphore, #tpu.memory_space<semaphore_mem>>)
      tpu.wait_dma2 semaphore(%run_scoped3A : memref<!tpu.dma_semaphore, #tpu.memory_space<semaphore_mem>>) src(%arg8 : memref<80x16xf32, #tpu.memory_space<hbm>>) dst(%arg14 : memref<80x16xf32, #tpu.memory_space<vmem>>)
      tpu.yield
    }) : () -> ()
    %barrier3A = arith.constant 0 : index
    tpu.barrier barrier_id(%barrier3A)
    %mul3A_7 = arith.constant 10000 : i32
    %mul3A_8 = arith.muli %add3A, %mul3A_7 : i32
    %add3A_9 = arith.constant 0 : i32
    %add3A_10 = arith.addi %mul3A_8, %add3A_9 : i32
    "tpu.region"() ({
      %run_scoped3A = tpu.sem_alloc : memref<!tpu.dma_semaphore, #tpu.memory_space<semaphore_mem>>
      %dma_start3A_26 = tpu.memref_slice %arg3[%add3A_10] : memref<320000xi32, #tpu.memory_space<hbm>> -> memref<80xi32, #tpu.memory_space<hbm>>
      %dma_start3A_27 = tpu.memref_slice %arg3[%add3A_10] : memref<320000xi32, #tpu.memory_space<hbm>> -> memref<80xi32, #tpu.memory_space<hbm>>
      tpu.enqueue_dma source(%dma_start3A_27 : memref<80xi32, #tpu.memory_space<hbm>>) target(%arg11 : memref<80xi32, #tpu.memory_space<vmem>>) target_semaphore(%run_scoped3A : memref<!tpu.dma_semaphore, #tpu.memory_space<semaphore_mem>>)
      %dma_wait3A_28 = tpu.memref_slice %arg3[%add3A_10] : memref<320000xi32, #tpu.memory_space<hbm>> -> memref<80xi32, #tpu.memory_space<hbm>>
      %dma_wait3A_29 = tpu.memref_slice %arg3[%add3A_10] : memref<320000xi32, #tpu.memory_space<hbm>> -> memref<80xi32, #tpu.memory_space<hbm>>
      tpu.wait_dma2 semaphore(%run_scoped3A : memref<!tpu.dma_semaphore, #tpu.memory_space<semaphore_mem>>) src(%dma_wait3A_29 : memref<80xi32, #tpu.memory_space<hbm>>) dst(%arg11 : memref<80xi32, #tpu.memory_space<vmem>>)
      tpu.yield
    }) : () -> ()
    "tpu.region"() ({
      %run_scoped3A = tpu.sem_alloc : memref<!tpu.dma_semaphore, #tpu.memory_space<semaphore_mem>>
      %dma_start3A_26 = tpu.memref_slice %arg4[%add3A_10] : memref<320000xi32, #tpu.memory_space<hbm>> -> memref<80xi32, #tpu.memory_space<hbm>>
      %dma_start3A_27 = tpu.memref_slice %arg4[%add3A_10] : memref<320000xi32, #tpu.memory_space<hbm>> -> memref<80xi32, #tpu.memory_space<hbm>>
      tpu.enqueue_dma source(%dma_start3A_27 : memref<80xi32, #tpu.memory_space<hbm>>) target(%arg12 : memref<80xi32, #tpu.memory_space<vmem>>) target_semaphore(%run_scoped3A : memref<!tpu.dma_semaphore, #tpu.memory_space<semaphore_mem>>)
      %dma_wait3A_28 = tpu.memref_slice %arg4[%add3A_10] : memref<320000xi32, #tpu.memory_space<hbm>> -> memref<80xi32, #tpu.memory_space<hbm>>
      %dma_wait3A_29 = tpu.memref_slice %arg4[%add3A_10] : memref<320000xi32, #tpu.memory_space<hbm>> -> memref<80xi32, #tpu.memory_space<hbm>>
      tpu.wait_dma2 semaphore(%run_scoped3A : memref<!tpu.dma_semaphore, #tpu.memory_space<semaphore_mem>>) src(%dma_wait3A_29 : memref<80xi32, #tpu.memory_space<hbm>>) dst(%arg12 : memref<80xi32, #tpu.memory_space<vmem>>)
      tpu.yield
    }) : () -> ()
    %dma_start3A = arith.constant 0 : i32
    %dma_start3A_11 = arith.constant 0 : i32
    %dma_start3A_12 = tpu.memref_slice %arg2[%dma_start3A, %dma_start3A_11] : memref<10000x128xf32, #tpu.memory_space<hbm>> -> memref<10000x128xf32, #tpu.memory_space<hbm>>
    tpu.enqueue_indirect_dma source(%dma_start3A_12 : memref<10000x128xf32, #tpu.memory_space<hbm>>) target(%arg13 : memref<80x128xf32, #tpu.memory_space<vmem>>) offsets(%arg11 : memref<80xi32, #tpu.memory_space<vmem>>) semaphore(%arg20 : memref<!tpu.dma_semaphore, #tpu.memory_space<semaphore_mem>>)
    %scan3A_13 = arith.constant 0 : i32
    %scan3A_14 = arith.constant 62 : i32
    %scan3A_15 = arith.addi %scan3A_13, %scan3A_14 : i32
    %scan3A_16 = arith.constant 1 : i32
    scf.for %scan3A_26 = %scan3A_13 to %scan3A_15 step %scan3A_16  : i32 {
      %mul3A_27 = arith.constant 1 : i32
      %mul3A_28 = arith.muli %scan3A_26, %mul3A_27 : i32
      %add3A_29 = arith.constant 0 : i32
      %add3A_30 = arith.addi %add3A_29, %mul3A_28 : i32
      %mul3A_31 = arith.constant 2 : i32
      %mul3A_32 = arith.muli %mul3A_31, %add3A_30 : i32
      %add3A_33 = arith.constant 1 : i32
      %add3A_34 = arith.addi %mul3A_32, %add3A_33 : i32
      %mul3A_35 = arith.constant 80 : i32
      %mul3A_36 = arith.muli %add3A_34, %mul3A_35 : i32
      %add3A_37 = arith.addi %mul3A_8, %mul3A_36 : i32
      "tpu.region"() ({
        %run_scoped3A = tpu.sem_alloc : memref<!tpu.dma_semaphore, #tpu.memory_space<semaphore_mem>>
        %dma_start3A_57 = tpu.memref_slice %arg3[%add3A_37] : memref<320000xi32, #tpu.memory_space<hbm>> -> memref<80xi32, #tpu.memory_space<hbm>>
        %dma_start3A_58 = tpu.memref_slice %arg3[%add3A_37] : memref<320000xi32, #tpu.memory_space<hbm>> -> memref<80xi32, #tpu.memory_space<hbm>>
        tpu.enqueue_dma source(%dma_start3A_58 : memref<80xi32, #tpu.memory_space<hbm>>) target(%arg15 : memref<80xi32, #tpu.memory_space<vmem>>) target_semaphore(%run_scoped3A : memref<!tpu.dma_semaphore, #tpu.memory_space<semaphore_mem>>)
        %dma_wait3A_59 = tpu.memref_slice %arg3[%add3A_37] : memref<320000xi32, #tpu.memory_space<hbm>> -> memref<80xi32, #tpu.memory_space<hbm>>
        %dma_wait3A_60 = tpu.memref_slice %arg3[%add3A_37] : memref<320000xi32, #tpu.memory_space<hbm>> -> memref<80xi32, #tpu.memory_space<hbm>>
        tpu.wait_dma2 semaphore(%run_scoped3A : memref<!tpu.dma_semaphore, #tpu.memory_space<semaphore_mem>>) src(%dma_wait3A_60 : memref<80xi32, #tpu.memory_space<hbm>>) dst(%arg15 : memref<80xi32, #tpu.memory_space<vmem>>)
        tpu.yield
      }) : () -> ()
      "tpu.region"() ({
        %run_scoped3A = tpu.sem_alloc : memref<!tpu.dma_semaphore, #tpu.memory_space<semaphore_mem>>
        %dma_start3A_57 = tpu.memref_slice %arg4[%add3A_37] : memref<320000xi32, #tpu.memory_space<hbm>> -> memref<80xi32, #tpu.memory_space<hbm>>
        %dma_start3A_58 = tpu.memref_slice %arg4[%add3A_37] : memref<320000xi32, #tpu.memory_space<hbm>> -> memref<80xi32, #tpu.memory_space<hbm>>
        tpu.enqueue_dma source(%dma_start3A_58 : memref<80xi32, #tpu.memory_space<hbm>>) target(%arg16 : memref<80xi32, #tpu.memory_space<vmem>>) target_semaphore(%run_scoped3A : memref<!tpu.dma_semaphore, #tpu.memory_space<semaphore_mem>>)
        %dma_wait3A_59 = tpu.memref_slice %arg4[%add3A_37] : memref<320000xi32, #tpu.memory_space<hbm>> -> memref<80xi32, #tpu.memory_space<hbm>>
        %dma_wait3A_60 = tpu.memref_slice %arg4[%add3A_37] : memref<320000xi32, #tpu.memory_space<hbm>> -> memref<80xi32, #tpu.memory_space<hbm>>
        tpu.wait_dma2 semaphore(%run_scoped3A : memref<!tpu.dma_semaphore, #tpu.memory_space<semaphore_mem>>) src(%dma_wait3A_60 : memref<80xi32, #tpu.memory_space<hbm>>) dst(%arg16 : memref<80xi32, #tpu.memory_space<vmem>>)
        tpu.yield
      }) : () -> ()
      %dma_start3A_38 = arith.constant 0 : i32
      %dma_start3A_39 = arith.constant 0 : i32
      %dma_start3A_40 = tpu.memref_slice %arg2[%dma_start3A_38, %dma_start3A_39] : memref<10000x128xf32, #tpu.memory_space<hbm>> -> memref<10000x128xf32, #tpu.memory_space<hbm>>
      tpu.enqueue_indirect_dma source(%dma_start3A_40 : memref<10000x128xf32, #tpu.memory_space<hbm>>) target(%arg17 : memref<80x128xf32, #tpu.memory_space<vmem>>) offsets(%arg15 : memref<80xi32, #tpu.memory_space<vmem>>) semaphore(%arg21 : memref<!tpu.dma_semaphore, #tpu.memory_space<semaphore_mem>>)
      %dma_wait3A_41 = arith.constant 0 : i32
      %dma_wait3A_42 = arith.constant 0 : i32
      %dma_wait3A_43 = tpu.memref_slice %arg2[%dma_wait3A_41, %dma_wait3A_42] : memref<10000x128xf32, #tpu.memory_space<hbm>> -> memref<10000x128xf32, #tpu.memory_space<hbm>>
      tpu.wait_indirect_dma semaphore(%arg20 : memref<!tpu.dma_semaphore, #tpu.memory_space<semaphore_mem>>) src(%dma_wait3A_43 : memref<10000x128xf32, #tpu.memory_space<hbm>>) dst(%arg13 : memref<80x128xf32, #tpu.memory_space<vmem>>)
      "tpu.region"() ({
        %run_scoped3A = tpu.sem_alloc : memref<!tpu.dma_semaphore, #tpu.memory_space<semaphore_mem>>
        %dma_start3A_57 = arith.constant 0 : i32
        %dma_start3A_58 = arith.constant 0 : i32
        %dma_start3A_59 = tpu.memref_slice %arg18[%dma_start3A_57, %dma_start3A_58] : memref<10000x128xf32, #tpu.memory_space<vmem_shared>> -> memref<10000x128xf32, #tpu.memory_space<vmem_shared>>
        tpu.enqueue_indirect_dma source(%arg13 : memref<80x128xf32, #tpu.memory_space<vmem>>) target(%dma_start3A_59 : memref<10000x128xf32, #tpu.memory_space<vmem_shared>>) offsets(%arg12 : memref<80xi32, #tpu.memory_space<vmem>>) semaphore(%run_scoped3A : memref<!tpu.dma_semaphore, #tpu.memory_space<semaphore_mem>>) {add = true}
        %dma_wait3A_60 = arith.constant 0 : i32
        %dma_wait3A_61 = arith.constant 0 : i32
        %dma_wait3A_62 = tpu.memref_slice %arg18[%dma_wait3A_60, %dma_wait3A_61] : memref<10000x128xf32, #tpu.memory_space<vmem_shared>> -> memref<10000x128xf32, #tpu.memory_space<vmem_shared>>
        tpu.wait_indirect_dma semaphore(%run_scoped3A : memref<!tpu.dma_semaphore, #tpu.memory_space<semaphore_mem>>) src(%arg13 : memref<80x128xf32, #tpu.memory_space<vmem>>) dst(%dma_wait3A_62 : memref<10000x128xf32, #tpu.memory_space<vmem_shared>>)
        tpu.yield
      }) : () -> ()
      "tpu.region"() ({
        %run_scoped3A = tpu.sem_alloc : memref<!tpu.dma_semaphore, #tpu.memory_space<semaphore_mem>>
        %dma_start3A_57 = arith.constant 0 : i32
        %dma_start3A_58 = arith.constant 0 : i32
        %dma_start3A_59 = tpu.memref_slice %arg19[%dma_start3A_57, %dma_start3A_58] : memref<10000x16xf32, #tpu.memory_space<vmem_shared>> -> memref<10000x16xf32, #tpu.memory_space<vmem_shared>>
        tpu.enqueue_indirect_dma source(%arg14 : memref<80x16xf32, #tpu.memory_space<vmem>>) target(%dma_start3A_59 : memref<10000x16xf32, #tpu.memory_space<vmem_shared>>) offsets(%arg12 : memref<80xi32, #tpu.memory_space<vmem>>) semaphore(%run_scoped3A : memref<!tpu.dma_semaphore, #tpu.memory_space<semaphore_mem>>) {add = true}
        %dma_wait3A_60 = arith.constant 0 : i32
        %dma_wait3A_61 = arith.constant 0 : i32
        %dma_wait3A_62 = tpu.memref_slice %arg19[%dma_wait3A_60, %dma_wait3A_61] : memref<10000x16xf32, #tpu.memory_space<vmem_shared>> -> memref<10000x16xf32, #tpu.memory_space<vmem_shared>>
        tpu.wait_indirect_dma semaphore(%run_scoped3A : memref<!tpu.dma_semaphore, #tpu.memory_space<semaphore_mem>>) src(%arg14 : memref<80x16xf32, #tpu.memory_space<vmem>>) dst(%dma_wait3A_62 : memref<10000x16xf32, #tpu.memory_space<vmem_shared>>)
        tpu.yield
      }) : () -> ()
      %mul3A_44 = arith.constant 2 : i32
      %mul3A_45 = arith.muli %mul3A_44, %add3A_30 : i32
      %add3A_46 = arith.constant 2 : i32
      %add3A_47 = arith.addi %mul3A_45, %add3A_46 : i32
      %mul3A_48 = arith.constant 80 : i32
      %mul3A_49 = arith.muli %add3A_47, %mul3A_48 : i32
      %add3A_50 = arith.addi %mul3A_8, %mul3A_49 : i32
      "tpu.region"() ({
        %run_scoped3A = tpu.sem_alloc : memref<!tpu.dma_semaphore, #tpu.memory_space<semaphore_mem>>
        %dma_start3A_57 = tpu.memref_slice %arg3[%add3A_50] : memref<320000xi32, #tpu.memory_space<hbm>> -> memref<80xi32, #tpu.memory_space<hbm>>
        %dma_start3A_58 = tpu.memref_slice %arg3[%add3A_50] : memref<320000xi32, #tpu.memory_space<hbm>> -> memref<80xi32, #tpu.memory_space<hbm>>
        tpu.enqueue_dma source(%dma_start3A_58 : memref<80xi32, #tpu.memory_space<hbm>>) target(%arg11 : memref<80xi32, #tpu.memory_space<vmem>>) target_semaphore(%run_scoped3A : memref<!tpu.dma_semaphore, #tpu.memory_space<semaphore_mem>>)
        %dma_wait3A_59 = tpu.memref_slice %arg3[%add3A_50] : memref<320000xi32, #tpu.memory_space<hbm>> -> memref<80xi32, #tpu.memory_space<hbm>>
        %dma_wait3A_60 = tpu.memref_slice %arg3[%add3A_50] : memref<320000xi32, #tpu.memory_space<hbm>> -> memref<80xi32, #tpu.memory_space<hbm>>
        tpu.wait_dma2 semaphore(%run_scoped3A : memref<!tpu.dma_semaphore, #tpu.memory_space<semaphore_mem>>) src(%dma_wait3A_60 : memref<80xi32, #tpu.memory_space<hbm>>) dst(%arg11 : memref<80xi32, #tpu.memory_space<vmem>>)
        tpu.yield
      }) : () -> ()
      "tpu.region"() ({
        %run_scoped3A = tpu.sem_alloc : memref<!tpu.dma_semaphore, #tpu.memory_space<semaphore_mem>>
        %dma_start3A_57 = tpu.memref_slice %arg4[%add3A_50] : memref<320000xi32, #tpu.memory_space<hbm>> -> memref<80xi32, #tpu.memory_space<hbm>>
        %dma_start3A_58 = tpu.memref_slice %arg4[%add3A_50] : memref<320000xi32, #tpu.memory_space<hbm>> -> memref<80xi32, #tpu.memory_space<hbm>>
        tpu.enqueue_dma source(%dma_start3A_58 : memref<80xi32, #tpu.memory_space<hbm>>) target(%arg12 : memref<80xi32, #tpu.memory_space<vmem>>) target_semaphore(%run_scoped3A : memref<!tpu.dma_semaphore, #tpu.memory_space<semaphore_mem>>)
        %dma_wait3A_59 = tpu.memref_slice %arg4[%add3A_50] : memref<320000xi32, #tpu.memory_space<hbm>> -> memref<80xi32, #tpu.memory_space<hbm>>
        %dma_wait3A_60 = tpu.memref_slice %arg4[%add3A_50] : memref<320000xi32, #tpu.memory_space<hbm>> -> memref<80xi32, #tpu.memory_space<hbm>>
        tpu.wait_dma2 semaphore(%run_scoped3A : memref<!tpu.dma_semaphore, #tpu.memory_space<semaphore_mem>>) src(%dma_wait3A_60 : memref<80xi32, #tpu.memory_space<hbm>>) dst(%arg12 : memref<80xi32, #tpu.memory_space<vmem>>)
        tpu.yield
      }) : () -> ()
      %dma_start3A_51 = arith.constant 0 : i32
      %dma_start3A_52 = arith.constant 0 : i32
      %dma_start3A_53 = tpu.memref_slice %arg2[%dma_start3A_51, %dma_start3A_52] : memref<10000x128xf32, #tpu.memory_space<hbm>> -> memref<10000x128xf32, #tpu.memory_space<hbm>>
      tpu.enqueue_indirect_dma source(%dma_start3A_53 : memref<10000x128xf32, #tpu.memory_space<hbm>>) target(%arg13 : memref<80x128xf32, #tpu.memory_space<vmem>>) offsets(%arg11 : memref<80xi32, #tpu.memory_space<vmem>>) semaphore(%arg20 : memref<!tpu.dma_semaphore, #tpu.memory_space<semaphore_mem>>)
      %dma_wait3A_54 = arith.constant 0 : i32
      %dma_wait3A_55 = arith.constant 0 : i32
      %dma_wait3A_56 = tpu.memref_slice %arg2[%dma_wait3A_54, %dma_wait3A_55] : memref<10000x128xf32, #tpu.memory_space<hbm>> -> memref<10000x128xf32, #tpu.memory_space<hbm>>
      tpu.wait_indirect_dma semaphore(%arg21 : memref<!tpu.dma_semaphore, #tpu.memory_space<semaphore_mem>>) src(%dma_wait3A_56 : memref<10000x128xf32, #tpu.memory_space<hbm>>) dst(%arg17 : memref<80x128xf32, #tpu.memory_space<vmem>>)
      "tpu.region"() ({
        %run_scoped3A = tpu.sem_alloc : memref<!tpu.dma_semaphore, #tpu.memory_space<semaphore_mem>>
        %dma_start3A_57 = arith.constant 0 : i32
        %dma_start3A_58 = arith.constant 0 : i32
        %dma_start3A_59 = tpu.memref_slice %arg18[%dma_start3A_57, %dma_start3A_58] : memref<10000x128xf32, #tpu.memory_space<vmem_shared>> -> memref<10000x128xf32, #tpu.memory_space<vmem_shared>>
        tpu.enqueue_indirect_dma source(%arg17 : memref<80x128xf32, #tpu.memory_space<vmem>>) target(%dma_start3A_59 : memref<10000x128xf32, #tpu.memory_space<vmem_shared>>) offsets(%arg16 : memref<80xi32, #tpu.memory_space<vmem>>) semaphore(%run_scoped3A : memref<!tpu.dma_semaphore, #tpu.memory_space<semaphore_mem>>) {add = true}
        %dma_wait3A_60 = arith.constant 0 : i32
        %dma_wait3A_61 = arith.constant 0 : i32
        %dma_wait3A_62 = tpu.memref_slice %arg18[%dma_wait3A_60, %dma_wait3A_61] : memref<10000x128xf32, #tpu.memory_space<vmem_shared>> -> memref<10000x128xf32, #tpu.memory_space<vmem_shared>>
        tpu.wait_indirect_dma semaphore(%run_scoped3A : memref<!tpu.dma_semaphore, #tpu.memory_space<semaphore_mem>>) src(%arg17 : memref<80x128xf32, #tpu.memory_space<vmem>>) dst(%dma_wait3A_62 : memref<10000x128xf32, #tpu.memory_space<vmem_shared>>)
        tpu.yield
      }) : () -> ()
      "tpu.region"() ({
        %run_scoped3A = tpu.sem_alloc : memref<!tpu.dma_semaphore, #tpu.memory_space<semaphore_mem>>
        %dma_start3A_57 = arith.constant 0 : i32
        %dma_start3A_58 = arith.constant 0 : i32
        %dma_start3A_59 = tpu.memref_slice %arg19[%dma_start3A_57, %dma_start3A_58] : memref<10000x16xf32, #tpu.memory_space<vmem_shared>> -> memref<10000x16xf32, #tpu.memory_space<vmem_shared>>
        tpu.enqueue_indirect_dma source(%arg14 : memref<80x16xf32, #tpu.memory_space<vmem>>) target(%dma_start3A_59 : memref<10000x16xf32, #tpu.memory_space<vmem_shared>>) offsets(%arg16 : memref<80xi32, #tpu.memory_space<vmem>>) semaphore(%run_scoped3A : memref<!tpu.dma_semaphore, #tpu.memory_space<semaphore_mem>>) {add = true}
        %dma_wait3A_60 = arith.constant 0 : i32
        %dma_wait3A_61 = arith.constant 0 : i32
        %dma_wait3A_62 = tpu.memref_slice %arg19[%dma_wait3A_60, %dma_wait3A_61] : memref<10000x16xf32, #tpu.memory_space<vmem_shared>> -> memref<10000x16xf32, #tpu.memory_space<vmem_shared>>
        tpu.wait_indirect_dma semaphore(%run_scoped3A : memref<!tpu.dma_semaphore, #tpu.memory_space<semaphore_mem>>) src(%arg14 : memref<80x16xf32, #tpu.memory_space<vmem>>) dst(%dma_wait3A_62 : memref<10000x16xf32, #tpu.memory_space<vmem_shared>>)
        tpu.yield
      }) : () -> ()
    }
    %scan3A_17 = arith.constant 62 : i32
    %dma_wait3A = arith.constant 0 : i32
    %dma_wait3A_18 = arith.constant 0 : i32
    %dma_wait3A_19 = tpu.memref_slice %arg2[%dma_wait3A, %dma_wait3A_18] : memref<10000x128xf32, #tpu.memory_space<hbm>> -> memref<10000x128xf32, #tpu.memory_space<hbm>>
    tpu.wait_indirect_dma semaphore(%arg20 : memref<!tpu.dma_semaphore, #tpu.memory_space<semaphore_mem>>) src(%dma_wait3A_19 : memref<10000x128xf32, #tpu.memory_space<hbm>>) dst(%arg13 : memref<80x128xf32, #tpu.memory_space<vmem>>)
    "tpu.region"() ({
      %run_scoped3A = tpu.sem_alloc : memref<!tpu.dma_semaphore, #tpu.memory_space<semaphore_mem>>
      %dma_start3A_26 = arith.constant 0 : i32
      %dma_start3A_27 = arith.constant 0 : i32
      %dma_start3A_28 = tpu.memref_slice %arg18[%dma_start3A_26, %dma_start3A_27] : memref<10000x128xf32, #tpu.memory_space<vmem_shared>> -> memref<10000x128xf32, #tpu.memory_space<vmem_shared>>
      tpu.enqueue_indirect_dma source(%arg13 : memref<80x128xf32, #tpu.memory_space<vmem>>) target(%dma_start3A_28 : memref<10000x128xf32, #tpu.memory_space<vmem_shared>>) offsets(%arg12 : memref<80xi32, #tpu.memory_space<vmem>>) semaphore(%run_scoped3A : memref<!tpu.dma_semaphore, #tpu.memory_space<semaphore_mem>>) {add = true}
      %dma_wait3A_29 = arith.constant 0 : i32
      %dma_wait3A_30 = arith.constant 0 : i32
      %dma_wait3A_31 = tpu.memref_slice %arg18[%dma_wait3A_29, %dma_wait3A_30] : memref<10000x128xf32, #tpu.memory_space<vmem_shared>> -> memref<10000x128xf32, #tpu.memory_space<vmem_shared>>
      tpu.wait_indirect_dma semaphore(%run_scoped3A : memref<!tpu.dma_semaphore, #tpu.memory_space<semaphore_mem>>) src(%arg13 : memref<80x128xf32, #tpu.memory_space<vmem>>) dst(%dma_wait3A_31 : memref<10000x128xf32, #tpu.memory_space<vmem_shared>>)
      tpu.yield
    }) : () -> ()
    "tpu.region"() ({
      %run_scoped3A = tpu.sem_alloc : memref<!tpu.dma_semaphore, #tpu.memory_space<semaphore_mem>>
      %dma_start3A_26 = arith.constant 0 : i32
      %dma_start3A_27 = arith.constant 0 : i32
      %dma_start3A_28 = tpu.memref_slice %arg19[%dma_start3A_26, %dma_start3A_27] : memref<10000x16xf32, #tpu.memory_space<vmem_shared>> -> memref<10000x16xf32, #tpu.memory_space<vmem_shared>>
      tpu.enqueue_indirect_dma source(%arg14 : memref<80x16xf32, #tpu.memory_space<vmem>>) target(%dma_start3A_28 : memref<10000x16xf32, #tpu.memory_space<vmem_shared>>) offsets(%arg12 : memref<80xi32, #tpu.memory_space<vmem>>) semaphore(%run_scoped3A : memref<!tpu.dma_semaphore, #tpu.memory_space<semaphore_mem>>) {add = true}
      %dma_wait3A_29 = arith.constant 0 : i32
      %dma_wait3A_30 = arith.constant 0 : i32
      %dma_wait3A_31 = tpu.memref_slice %arg19[%dma_wait3A_29, %dma_wait3A_30] : memref<10000x16xf32, #tpu.memory_space<vmem_shared>> -> memref<10000x16xf32, #tpu.memory_space<vmem_shared>>
      tpu.wait_indirect_dma semaphore(%run_scoped3A : memref<!tpu.dma_semaphore, #tpu.memory_space<semaphore_mem>>) src(%arg14 : memref<80x16xf32, #tpu.memory_space<vmem>>) dst(%dma_wait3A_31 : memref<10000x16xf32, #tpu.memory_space<vmem_shared>>)
      tpu.yield
    }) : () -> ()
    %barrier3A_20 = arith.constant 0 : index
    tpu.barrier barrier_id(%barrier3A_20)
    %scan3A_21 = arith.constant 0 : i32
    %scan3A_22 = arith.constant 8 : i32
    %scan3A_23 = arith.addi %scan3A_21, %scan3A_22 : i32
    %scan3A_24 = arith.constant 1 : i32
    scf.for %scan3A_26 = %scan3A_21 to %scan3A_23 step %scan3A_24  : i32 {
      %mul3A_27 = arith.constant 1 : i32
      %mul3A_28 = arith.muli %scan3A_26, %mul3A_27 : i32
      %add3A_29 = arith.constant 0 : i32
      %add3A_30 = arith.addi %add3A_29, %mul3A_28 : i32
      %lt3A = arith.constant 13 : i32
      %lt3A_31 = arith.cmpi slt, %arg1, %lt3A : i32
      %mul3A_32 = arith.constant 80 : i32
      %mul3A_33 = arith.muli %arg1, %mul3A_32 : i32
      %add3A_34 = arith.constant 8960 : i32
      %add3A_35 = arith.addi %add3A_34, %mul3A_33 : i32
      %select_n3A = arith.select %lt3A_31, %add3A_35, %mul3A_2 : i32
      %lt3A_36 = arith.constant 7 : i32
      %lt3A_37 = arith.cmpi slt, %add3A_30, %lt3A_36 : i32
      %mul3A_38 = arith.constant 80 : i32
      %mul3A_39 = arith.muli %add3A_30, %mul3A_38 : i32
      %add3A_40 = arith.addi %mul3A_2, %mul3A_39 : i32
      %select_n3A_41 = arith.select %lt3A_37, %add3A_40, %select_n3A : i32
      "tpu.region"() ({
        %run_scoped3A = tpu.sem_alloc : memref<!tpu.dma_semaphore, #tpu.memory_space<semaphore_mem>>
        %dma_start3A_54 = tpu.memref_slice %arg5[%select_n3A_41] : memref<10000xi32, #tpu.memory_space<hbm>> -> memref<80xi32, #tpu.memory_space<hbm>>
        %dma_start3A_55 = tpu.memref_slice %arg5[%select_n3A_41] : memref<10000xi32, #tpu.memory_space<hbm>> -> memref<80xi32, #tpu.memory_space<hbm>>
        tpu.enqueue_dma source(%dma_start3A_55 : memref<80xi32, #tpu.memory_space<hbm>>) target(%arg11 : memref<80xi32, #tpu.memory_space<vmem>>) target_semaphore(%run_scoped3A : memref<!tpu.dma_semaphore, #tpu.memory_space<semaphore_mem>>)
        %dma_wait3A_56 = tpu.memref_slice %arg5[%select_n3A_41] : memref<10000xi32, #tpu.memory_space<hbm>> -> memref<80xi32, #tpu.memory_space<hbm>>
        %dma_wait3A_57 = tpu.memref_slice %arg5[%select_n3A_41] : memref<10000xi32, #tpu.memory_space<hbm>> -> memref<80xi32, #tpu.memory_space<hbm>>
        tpu.wait_dma2 semaphore(%run_scoped3A : memref<!tpu.dma_semaphore, #tpu.memory_space<semaphore_mem>>) src(%dma_wait3A_57 : memref<80xi32, #tpu.memory_space<hbm>>) dst(%arg11 : memref<80xi32, #tpu.memory_space<vmem>>)
        tpu.yield
      }) : () -> ()
      %dma_start3A_42 = arith.constant 0 : i32
      %dma_start3A_43 = arith.constant 0 : i32
      %dma_start3A_44 = tpu.memref_slice %arg18[%dma_start3A_42, %dma_start3A_43] : memref<10000x128xf32, #tpu.memory_space<vmem_shared>> -> memref<10000x128xf32, #tpu.memory_space<vmem_shared>>
      tpu.enqueue_indirect_dma source(%dma_start3A_44 : memref<10000x128xf32, #tpu.memory_space<vmem_shared>>) target(%arg13 : memref<80x128xf32, #tpu.memory_space<vmem>>) offsets(%arg11 : memref<80xi32, #tpu.memory_space<vmem>>) semaphore(%arg20 : memref<!tpu.dma_semaphore, #tpu.memory_space<semaphore_mem>>)
      %dma_wait3A_45 = arith.constant 0 : i32
      %dma_wait3A_46 = arith.constant 0 : i32
      %dma_wait3A_47 = tpu.memref_slice %arg18[%dma_wait3A_45, %dma_wait3A_46] : memref<10000x128xf32, #tpu.memory_space<vmem_shared>> -> memref<10000x128xf32, #tpu.memory_space<vmem_shared>>
      tpu.wait_indirect_dma semaphore(%arg20 : memref<!tpu.dma_semaphore, #tpu.memory_space<semaphore_mem>>) src(%dma_wait3A_47 : memref<10000x128xf32, #tpu.memory_space<vmem_shared>>) dst(%arg13 : memref<80x128xf32, #tpu.memory_space<vmem>>)
      "tpu.region"() ({
        %run_scoped3A = tpu.sem_alloc : memref<!tpu.dma_semaphore, #tpu.memory_space<semaphore_mem>>
        %dma_start3A_54 = arith.constant 0 : i32
        %dma_start3A_55 = tpu.memref_slice %arg9[%arg0, %select_n3A_41, %dma_start3A_54] : memref<2x10000x128xf32, #tpu.memory_space<hbm>> -> memref<1x80x128xf32, #tpu.memory_space<hbm>>
        %dma_start3A_56 = tpu.memref_squeeze %dma_start3A_55 : memref<1x80x128xf32, #tpu.memory_space<hbm>> -> memref<80x128xf32, #tpu.memory_space<hbm>>
        %dma_start3A_57 = arith.constant 0 : i32
        %dma_start3A_58 = tpu.memref_slice %arg9[%arg0, %select_n3A_41, %dma_start3A_57] : memref<2x10000x128xf32, #tpu.memory_space<hbm>> -> memref<1x80x128xf32, #tpu.memory_space<hbm>>
        %dma_start3A_59 = tpu.memref_squeeze %dma_start3A_58 : memref<1x80x128xf32, #tpu.memory_space<hbm>> -> memref<80x128xf32, #tpu.memory_space<hbm>>
        tpu.enqueue_dma source(%arg13 : memref<80x128xf32, #tpu.memory_space<vmem>>) target(%dma_start3A_59 : memref<80x128xf32, #tpu.memory_space<hbm>>) target_semaphore(%run_scoped3A : memref<!tpu.dma_semaphore, #tpu.memory_space<semaphore_mem>>)
        %dma_wait3A_60 = arith.constant 0 : i32
        %dma_wait3A_61 = tpu.memref_slice %arg9[%arg0, %select_n3A_41, %dma_wait3A_60] : memref<2x10000x128xf32, #tpu.memory_space<hbm>> -> memref<1x80x128xf32, #tpu.memory_space<hbm>>
        %dma_wait3A_62 = tpu.memref_squeeze %dma_wait3A_61 : memref<1x80x128xf32, #tpu.memory_space<hbm>> -> memref<80x128xf32, #tpu.memory_space<hbm>>
        %dma_wait3A_63 = arith.constant 0 : i32
        %dma_wait3A_64 = tpu.memref_slice %arg9[%arg0, %select_n3A_41, %dma_wait3A_63] : memref<2x10000x128xf32, #tpu.memory_space<hbm>> -> memref<1x80x128xf32, #tpu.memory_space<hbm>>
        %dma_wait3A_65 = tpu.memref_squeeze %dma_wait3A_64 : memref<1x80x128xf32, #tpu.memory_space<hbm>> -> memref<80x128xf32, #tpu.memory_space<hbm>>
        tpu.wait_dma2 semaphore(%run_scoped3A : memref<!tpu.dma_semaphore, #tpu.memory_space<semaphore_mem>>) src(%arg13 : memref<80x128xf32, #tpu.memory_space<vmem>>) dst(%dma_wait3A_65 : memref<80x128xf32, #tpu.memory_space<hbm>>)
        tpu.yield
      }) : () -> ()
      %dma_start3A_48 = arith.constant 0 : i32
      %dma_start3A_49 = arith.constant 0 : i32
      %dma_start3A_50 = tpu.memref_slice %arg19[%dma_start3A_48, %dma_start3A_49] : memref<10000x16xf32, #tpu.memory_space<vmem_shared>> -> memref<10000x16xf32, #tpu.memory_space<vmem_shared>>
      tpu.enqueue_indirect_dma source(%dma_start3A_50 : memref<10000x16xf32, #tpu.memory_space<vmem_shared>>) target(%arg14 : memref<80x16xf32, #tpu.memory_space<vmem>>) offsets(%arg11 : memref<80xi32, #tpu.memory_space<vmem>>) semaphore(%arg20 : memref<!tpu.dma_semaphore, #tpu.memory_space<semaphore_mem>>)
      %dma_wait3A_51 = arith.constant 0 : i32
      %dma_wait3A_52 = arith.constant 0 : i32
      %dma_wait3A_53 = tpu.memref_slice %arg19[%dma_wait3A_51, %dma_wait3A_52] : memref<10000x16xf32, #tpu.memory_space<vmem_shared>> -> memref<10000x16xf32, #tpu.memory_space<vmem_shared>>
      tpu.wait_indirect_dma semaphore(%arg20 : memref<!tpu.dma_semaphore, #tpu.memory_space<semaphore_mem>>) src(%dma_wait3A_53 : memref<10000x16xf32, #tpu.memory_space<vmem_shared>>) dst(%arg14 : memref<80x16xf32, #tpu.memory_space<vmem>>)
      "tpu.region"() ({
        %run_scoped3A = tpu.sem_alloc : memref<!tpu.dma_semaphore, #tpu.memory_space<semaphore_mem>>
        %dma_start3A_54 = arith.constant 0 : i32
        %dma_start3A_55 = tpu.memref_slice %arg10[%arg0, %select_n3A_41, %dma_start3A_54] : memref<2x10000x16xf32, #tpu.memory_space<hbm>> -> memref<1x80x16xf32, #tpu.memory_space<hbm>>
        %dma_start3A_56 = tpu.memref_squeeze %dma_start3A_55 : memref<1x80x16xf32, #tpu.memory_space<hbm>> -> memref<80x16xf32, #tpu.memory_space<hbm>>
        %dma_start3A_57 = arith.constant 0 : i32
        %dma_start3A_58 = tpu.memref_slice %arg10[%arg0, %select_n3A_41, %dma_start3A_57] : memref<2x10000x16xf32, #tpu.memory_space<hbm>> -> memref<1x80x16xf32, #tpu.memory_space<hbm>>
        %dma_start3A_59 = tpu.memref_squeeze %dma_start3A_58 : memref<1x80x16xf32, #tpu.memory_space<hbm>> -> memref<80x16xf32, #tpu.memory_space<hbm>>
        tpu.enqueue_dma source(%arg14 : memref<80x16xf32, #tpu.memory_space<vmem>>) target(%dma_start3A_59 : memref<80x16xf32, #tpu.memory_space<hbm>>) target_semaphore(%run_scoped3A : memref<!tpu.dma_semaphore, #tpu.memory_space<semaphore_mem>>)
        %dma_wait3A_60 = arith.constant 0 : i32
        %dma_wait3A_61 = tpu.memref_slice %arg10[%arg0, %select_n3A_41, %dma_wait3A_60] : memref<2x10000x16xf32, #tpu.memory_space<hbm>> -> memref<1x80x16xf32, #tpu.memory_space<hbm>>
        %dma_wait3A_62 = tpu.memref_squeeze %dma_wait3A_61 : memref<1x80x16xf32, #tpu.memory_space<hbm>> -> memref<80x16xf32, #tpu.memory_space<hbm>>
        %dma_wait3A_63 = arith.constant 0 : i32
        %dma_wait3A_64 = tpu.memref_slice %arg10[%arg0, %select_n3A_41, %dma_wait3A_63] : memref<2x10000x16xf32, #tpu.memory_space<hbm>> -> memref<1x80x16xf32, #tpu.memory_space<hbm>>
        %dma_wait3A_65 = tpu.memref_squeeze %dma_wait3A_64 : memref<1x80x16xf32, #tpu.memory_space<hbm>> -> memref<80x16xf32, #tpu.memory_space<hbm>>
        tpu.wait_dma2 semaphore(%run_scoped3A : memref<!tpu.dma_semaphore, #tpu.memory_space<semaphore_mem>>) src(%arg14 : memref<80x16xf32, #tpu.memory_space<vmem>>) dst(%dma_wait3A_65 : memref<80x16xf32, #tpu.memory_space<hbm>>)
        tpu.yield
      }) : () -> ()
    }
    %scan3A_25 = arith.constant 8 : i32
    return
  }
}

#map = affine_map<(d0, d1) -> (0, 0)>
#map1 = affine_map<(d0, d1) -> (0)>
#map2 = affine_map<(d0, d1) -> (0, 0, 0)>
module attributes {stable_mosaic.version = 14 : i64} {
  func.func @_agg_body(%arg0: i32, %arg1: i32, %arg2: memref<10000x128xf32, #tpu.memory_space<hbm>>, %arg3: memref<320000xi32, #tpu.memory_space<hbm>>, %arg4: memref<320000xi32, #tpu.memory_space<hbm>>, %arg5: memref<10000xi32, #tpu.memory_space<hbm>>, %arg6: memref<80x128xf32, #tpu.memory_space<hbm>>, %arg7: memref<80x16xf32, #tpu.memory_space<hbm>>, %arg8: memref<80x16xf32, #tpu.memory_space<hbm>>, %arg9: memref<2x10000x128xf32, #tpu.memory_space<hbm>>, %arg10: memref<2x10000x16xf32, #tpu.memory_space<hbm>>, %arg11: memref<80xi32, #tpu.memory_space<vmem>>, %arg12: memref<80xi32, #tpu.memory_space<vmem>>, %arg13: memref<80x128xf32, #tpu.memory_space<vmem>>, %arg14: memref<80x16xf32, #tpu.memory_space<vmem>>, %arg15: memref<80xi32, #tpu.memory_space<vmem>>, %arg16: memref<80xi32, #tpu.memory_space<vmem>>, %arg17: memref<80x128xf32, #tpu.memory_space<vmem>>, %arg18: memref<10000x128xf32, #tpu.memory_space<vmem_shared>>, %arg19: memref<10000x16xf32, #tpu.memory_space<vmem_shared>>, %arg20: memref<!tpu.dma_semaphore, #tpu.memory_space<semaphore_mem>>, %arg21: memref<!tpu.dma_semaphore, #tpu.memory_space<semaphore_mem>>) attributes {dimension_semantics = [#tpu.dimension_semantics<core_parallel>, #tpu.dimension_semantics<subcore_parallel>], iteration_bounds = array<i64: 2, 16>, scalar_prefetch = 0 : i64, scratch_operands = 11 : i64, tpu.core_type = #tpu.core_type<sc_vector_subcore>, window_params = [{transform_indices = #map}, {transform_indices = #map1}, {transform_indices = #map1}, {transform_indices = #map1}, {transform_indices = #map}, {transform_indices = #map}, {transform_indices = #map}, {transform_indices = #map2}, {transform_indices = #map2}]} {
    %mul3A = arith.constant 16 : i32
    %mul3A_0 = arith.muli %arg0, %mul3A : i32
    %add3A = arith.addi %mul3A_0, %arg1 : i32
    %mul3A_1 = arith.constant 560 : i32
    %mul3A_2 = arith.muli %arg1, %mul3A_1 : i32
    "tpu.region"() ({
      %run_scoped3A = tpu.sem_alloc : memref<!tpu.dma_semaphore, #tpu.memory_space<semaphore_mem>>
      tpu.enqueue_dma source(%arg6 : memref<80x128xf32, #tpu.memory_space<hbm>>) target(%arg13 : memref<80x128xf32, #tpu.memory_space<vmem>>) target_semaphore(%run_scoped3A : memref<!tpu.dma_semaphore, #tpu.memory_space<semaphore_mem>>)
      tpu.wait_dma2 semaphore(%run_scoped3A : memref<!tpu.dma_semaphore, #tpu.memory_space<semaphore_mem>>) src(%arg6 : memref<80x128xf32, #tpu.memory_space<hbm>>) dst(%arg13 : memref<80x128xf32, #tpu.memory_space<vmem>>)
      tpu.yield
    }) : () -> ()
    "tpu.region"() ({
      %run_scoped3A = tpu.sem_alloc : memref<!tpu.dma_semaphore, #tpu.memory_space<semaphore_mem>>
      tpu.enqueue_dma source(%arg7 : memref<80x16xf32, #tpu.memory_space<hbm>>) target(%arg14 : memref<80x16xf32, #tpu.memory_space<vmem>>) target_semaphore(%run_scoped3A : memref<!tpu.dma_semaphore, #tpu.memory_space<semaphore_mem>>)
      tpu.wait_dma2 semaphore(%run_scoped3A : memref<!tpu.dma_semaphore, #tpu.memory_space<semaphore_mem>>) src(%arg7 : memref<80x16xf32, #tpu.memory_space<hbm>>) dst(%arg14 : memref<80x16xf32, #tpu.memory_space<vmem>>)
      tpu.yield
    }) : () -> ()
    %scan3A = arith.constant 0 : i32
    %scan3A_3 = arith.constant 8 : i32
    %scan3A_4 = arith.addi %scan3A, %scan3A_3 : i32
    %scan3A_5 = arith.constant 1 : i32
    scf.for %scan3A_26 = %scan3A to %scan3A_4 step %scan3A_5  : i32 {
      %mul3A_27 = arith.constant 1 : i32
      %mul3A_28 = arith.muli %scan3A_26, %mul3A_27 : i32
      %add3A_29 = arith.constant 0 : i32
      %add3A_30 = arith.addi %add3A_29, %mul3A_28 : i32
      %lt3A = arith.constant 13 : i32
      %lt3A_31 = arith.cmpi slt, %arg1, %lt3A : i32
      %mul3A_32 = arith.constant 80 : i32
      %mul3A_33 = arith.muli %arg1, %mul3A_32 : i32
      %add3A_34 = arith.constant 8960 : i32
      %add3A_35 = arith.addi %add3A_34, %mul3A_33 : i32
      %select_n3A = arith.select %lt3A_31, %add3A_35, %mul3A_2 : i32
      %lt3A_36 = arith.constant 7 : i32
      %lt3A_37 = arith.cmpi slt, %add3A_30, %lt3A_36 : i32
      %mul3A_38 = arith.constant 80 : i32
      %mul3A_39 = arith.muli %add3A_30, %mul3A_38 : i32
      %add3A_40 = arith.addi %mul3A_2, %mul3A_39 : i32
      %select_n3A_41 = arith.select %lt3A_37, %add3A_40, %select_n3A : i32
      "tpu.region"() ({
        %run_scoped3A = tpu.sem_alloc : memref<!tpu.dma_semaphore, #tpu.memory_space<semaphore_mem>>
        %dma_start3A_42 = tpu.memref_slice %arg5[%select_n3A_41] : memref<10000xi32, #tpu.memory_space<hbm>> -> memref<80xi32, #tpu.memory_space<hbm>>
        %dma_start3A_43 = tpu.memref_slice %arg5[%select_n3A_41] : memref<10000xi32, #tpu.memory_space<hbm>> -> memref<80xi32, #tpu.memory_space<hbm>>
        tpu.enqueue_dma source(%dma_start3A_43 : memref<80xi32, #tpu.memory_space<hbm>>) target(%arg11 : memref<80xi32, #tpu.memory_space<vmem>>) target_semaphore(%run_scoped3A : memref<!tpu.dma_semaphore, #tpu.memory_space<semaphore_mem>>)
        %dma_wait3A_44 = tpu.memref_slice %arg5[%select_n3A_41] : memref<10000xi32, #tpu.memory_space<hbm>> -> memref<80xi32, #tpu.memory_space<hbm>>
        %dma_wait3A_45 = tpu.memref_slice %arg5[%select_n3A_41] : memref<10000xi32, #tpu.memory_space<hbm>> -> memref<80xi32, #tpu.memory_space<hbm>>
        tpu.wait_dma2 semaphore(%run_scoped3A : memref<!tpu.dma_semaphore, #tpu.memory_space<semaphore_mem>>) src(%dma_wait3A_45 : memref<80xi32, #tpu.memory_space<hbm>>) dst(%arg11 : memref<80xi32, #tpu.memory_space<vmem>>)
        tpu.yield
      }) : () -> ()
      "tpu.region"() ({
        %run_scoped3A = tpu.sem_alloc : memref<!tpu.dma_semaphore, #tpu.memory_space<semaphore_mem>>
        %dma_start3A_42 = arith.constant 0 : i32
        %dma_start3A_43 = arith.constant 0 : i32
        %dma_start3A_44 = tpu.memref_slice %arg18[%dma_start3A_42, %dma_start3A_43] : memref<10000x128xf32, #tpu.memory_space<vmem_shared>> -> memref<10000x128xf32, #tpu.memory_space<vmem_shared>>
        tpu.enqueue_indirect_dma source(%arg13 : memref<80x128xf32, #tpu.memory_space<vmem>>) target(%dma_start3A_44 : memref<10000x128xf32, #tpu.memory_space<vmem_shared>>) offsets(%arg11 : memref<80xi32, #tpu.memory_space<vmem>>) semaphore(%run_scoped3A : memref<!tpu.dma_semaphore, #tpu.memory_space<semaphore_mem>>)
        %dma_wait3A_45 = arith.constant 0 : i32
        %dma_wait3A_46 = arith.constant 0 : i32
        %dma_wait3A_47 = tpu.memref_slice %arg18[%dma_wait3A_45, %dma_wait3A_46] : memref<10000x128xf32, #tpu.memory_space<vmem_shared>> -> memref<10000x128xf32, #tpu.memory_space<vmem_shared>>
        tpu.wait_indirect_dma semaphore(%run_scoped3A : memref<!tpu.dma_semaphore, #tpu.memory_space<semaphore_mem>>) src(%arg13 : memref<80x128xf32, #tpu.memory_space<vmem>>) dst(%dma_wait3A_47 : memref<10000x128xf32, #tpu.memory_space<vmem_shared>>)
        tpu.yield
      }) : () -> ()
      "tpu.region"() ({
        %run_scoped3A = tpu.sem_alloc : memref<!tpu.dma_semaphore, #tpu.memory_space<semaphore_mem>>
        %dma_start3A_42 = arith.constant 0 : i32
        %dma_start3A_43 = arith.constant 0 : i32
        %dma_start3A_44 = tpu.memref_slice %arg19[%dma_start3A_42, %dma_start3A_43] : memref<10000x16xf32, #tpu.memory_space<vmem_shared>> -> memref<10000x16xf32, #tpu.memory_space<vmem_shared>>
        tpu.enqueue_indirect_dma source(%arg14 : memref<80x16xf32, #tpu.memory_space<vmem>>) target(%dma_start3A_44 : memref<10000x16xf32, #tpu.memory_space<vmem_shared>>) offsets(%arg11 : memref<80xi32, #tpu.memory_space<vmem>>) semaphore(%run_scoped3A : memref<!tpu.dma_semaphore, #tpu.memory_space<semaphore_mem>>)
        %dma_wait3A_45 = arith.constant 0 : i32
        %dma_wait3A_46 = arith.constant 0 : i32
        %dma_wait3A_47 = tpu.memref_slice %arg19[%dma_wait3A_45, %dma_wait3A_46] : memref<10000x16xf32, #tpu.memory_space<vmem_shared>> -> memref<10000x16xf32, #tpu.memory_space<vmem_shared>>
        tpu.wait_indirect_dma semaphore(%run_scoped3A : memref<!tpu.dma_semaphore, #tpu.memory_space<semaphore_mem>>) src(%arg14 : memref<80x16xf32, #tpu.memory_space<vmem>>) dst(%dma_wait3A_47 : memref<10000x16xf32, #tpu.memory_space<vmem_shared>>)
        tpu.yield
      }) : () -> ()
    }
    %scan3A_6 = arith.constant 8 : i32
    "tpu.region"() ({
      %run_scoped3A = tpu.sem_alloc : memref<!tpu.dma_semaphore, #tpu.memory_space<semaphore_mem>>
      tpu.enqueue_dma source(%arg8 : memref<80x16xf32, #tpu.memory_space<hbm>>) target(%arg14 : memref<80x16xf32, #tpu.memory_space<vmem>>) target_semaphore(%run_scoped3A : memref<!tpu.dma_semaphore, #tpu.memory_space<semaphore_mem>>)
      tpu.wait_dma2 semaphore(%run_scoped3A : memref<!tpu.dma_semaphore, #tpu.memory_space<semaphore_mem>>) src(%arg8 : memref<80x16xf32, #tpu.memory_space<hbm>>) dst(%arg14 : memref<80x16xf32, #tpu.memory_space<vmem>>)
      tpu.yield
    }) : () -> ()
    %barrier3A = arith.constant 0 : index
    tpu.barrier barrier_id(%barrier3A)
    %mul3A_7 = arith.constant 10000 : i32
    %mul3A_8 = arith.muli %add3A, %mul3A_7 : i32
    %add3A_9 = arith.constant 0 : i32
    %add3A_10 = arith.addi %mul3A_8, %add3A_9 : i32
    "tpu.region"() ({
      %run_scoped3A = tpu.sem_alloc : memref<!tpu.dma_semaphore, #tpu.memory_space<semaphore_mem>>
      %dma_start3A_26 = tpu.memref_slice %arg3[%add3A_10] : memref<320000xi32, #tpu.memory_space<hbm>> -> memref<80xi32, #tpu.memory_space<hbm>>
      %dma_start3A_27 = tpu.memref_slice %arg3[%add3A_10] : memref<320000xi32, #tpu.memory_space<hbm>> -> memref<80xi32, #tpu.memory_space<hbm>>
      tpu.enqueue_dma source(%dma_start3A_27 : memref<80xi32, #tpu.memory_space<hbm>>) target(%arg11 : memref<80xi32, #tpu.memory_space<vmem>>) target_semaphore(%run_scoped3A : memref<!tpu.dma_semaphore, #tpu.memory_space<semaphore_mem>>)
      %dma_wait3A_28 = tpu.memref_slice %arg3[%add3A_10] : memref<320000xi32, #tpu.memory_space<hbm>> -> memref<80xi32, #tpu.memory_space<hbm>>
      %dma_wait3A_29 = tpu.memref_slice %arg3[%add3A_10] : memref<320000xi32, #tpu.memory_space<hbm>> -> memref<80xi32, #tpu.memory_space<hbm>>
      tpu.wait_dma2 semaphore(%run_scoped3A : memref<!tpu.dma_semaphore, #tpu.memory_space<semaphore_mem>>) src(%dma_wait3A_29 : memref<80xi32, #tpu.memory_space<hbm>>) dst(%arg11 : memref<80xi32, #tpu.memory_space<vmem>>)
      tpu.yield
    }) : () -> ()
    "tpu.region"() ({
      %run_scoped3A = tpu.sem_alloc : memref<!tpu.dma_semaphore, #tpu.memory_space<semaphore_mem>>
      %dma_start3A_26 = tpu.memref_slice %arg4[%add3A_10] : memref<320000xi32, #tpu.memory_space<hbm>> -> memref<80xi32, #tpu.memory_space<hbm>>
      %dma_start3A_27 = tpu.memref_slice %arg4[%add3A_10] : memref<320000xi32, #tpu.memory_space<hbm>> -> memref<80xi32, #tpu.memory_space<hbm>>
      tpu.enqueue_dma source(%dma_start3A_27 : memref<80xi32, #tpu.memory_space<hbm>>) target(%arg12 : memref<80xi32, #tpu.memory_space<vmem>>) target_semaphore(%run_scoped3A : memref<!tpu.dma_semaphore, #tpu.memory_space<semaphore_mem>>)
      %dma_wait3A_28 = tpu.memref_slice %arg4[%add3A_10] : memref<320000xi32, #tpu.memory_space<hbm>> -> memref<80xi32, #tpu.memory_space<hbm>>
      %dma_wait3A_29 = tpu.memref_slice %arg4[%add3A_10] : memref<320000xi32, #tpu.memory_space<hbm>> -> memref<80xi32, #tpu.memory_space<hbm>>
      tpu.wait_dma2 semaphore(%run_scoped3A : memref<!tpu.dma_semaphore, #tpu.memory_space<semaphore_mem>>) src(%dma_wait3A_29 : memref<80xi32, #tpu.memory_space<hbm>>) dst(%arg12 : memref<80xi32, #tpu.memory_space<vmem>>)
      tpu.yield
    }) : () -> ()
    %dma_start3A = arith.constant 0 : i32
    %dma_start3A_11 = arith.constant 0 : i32
    %dma_start3A_12 = tpu.memref_slice %arg2[%dma_start3A, %dma_start3A_11] : memref<10000x128xf32, #tpu.memory_space<hbm>> -> memref<10000x128xf32, #tpu.memory_space<hbm>>
    tpu.enqueue_indirect_dma source(%dma_start3A_12 : memref<10000x128xf32, #tpu.memory_space<hbm>>) target(%arg13 : memref<80x128xf32, #tpu.memory_space<vmem>>) offsets(%arg11 : memref<80xi32, #tpu.memory_space<vmem>>) semaphore(%arg20 : memref<!tpu.dma_semaphore, #tpu.memory_space<semaphore_mem>>)
    %scan3A_13 = arith.constant 0 : i32
    %scan3A_14 = arith.constant 62 : i32
    %scan3A_15 = arith.addi %scan3A_13, %scan3A_14 : i32
    %scan3A_16 = arith.constant 1 : i32
    scf.for %scan3A_26 = %scan3A_13 to %scan3A_15 step %scan3A_16  : i32 {
      %mul3A_27 = arith.constant 1 : i32
      %mul3A_28 = arith.muli %scan3A_26, %mul3A_27 : i32
      %add3A_29 = arith.constant 0 : i32
      %add3A_30 = arith.addi %add3A_29, %mul3A_28 : i32
      %mul3A_31 = arith.constant 2 : i32
      %mul3A_32 = arith.muli %mul3A_31, %add3A_30 : i32
      %add3A_33 = arith.constant 1 : i32
      %add3A_34 = arith.addi %mul3A_32, %add3A_33 : i32
      %mul3A_35 = arith.constant 80 : i32
      %mul3A_36 = arith.muli %add3A_34, %mul3A_35 : i32
      %add3A_37 = arith.addi %mul3A_8, %mul3A_36 : i32
      "tpu.region"() ({
        %run_scoped3A = tpu.sem_alloc : memref<!tpu.dma_semaphore, #tpu.memory_space<semaphore_mem>>
        %dma_start3A_57 = tpu.memref_slice %arg3[%add3A_37] : memref<320000xi32, #tpu.memory_space<hbm>> -> memref<80xi32, #tpu.memory_space<hbm>>
        %dma_start3A_58 = tpu.memref_slice %arg3[%add3A_37] : memref<320000xi32, #tpu.memory_space<hbm>> -> memref<80xi32, #tpu.memory_space<hbm>>
        tpu.enqueue_dma source(%dma_start3A_58 : memref<80xi32, #tpu.memory_space<hbm>>) target(%arg15 : memref<80xi32, #tpu.memory_space<vmem>>) target_semaphore(%run_scoped3A : memref<!tpu.dma_semaphore, #tpu.memory_space<semaphore_mem>>)
        %dma_wait3A_59 = tpu.memref_slice %arg3[%add3A_37] : memref<320000xi32, #tpu.memory_space<hbm>> -> memref<80xi32, #tpu.memory_space<hbm>>
        %dma_wait3A_60 = tpu.memref_slice %arg3[%add3A_37] : memref<320000xi32, #tpu.memory_space<hbm>> -> memref<80xi32, #tpu.memory_space<hbm>>
        tpu.wait_dma2 semaphore(%run_scoped3A : memref<!tpu.dma_semaphore, #tpu.memory_space<semaphore_mem>>) src(%dma_wait3A_60 : memref<80xi32, #tpu.memory_space<hbm>>) dst(%arg15 : memref<80xi32, #tpu.memory_space<vmem>>)
        tpu.yield
      }) : () -> ()
      "tpu.region"() ({
        %run_scoped3A = tpu.sem_alloc : memref<!tpu.dma_semaphore, #tpu.memory_space<semaphore_mem>>
        %dma_start3A_57 = tpu.memref_slice %arg4[%add3A_37] : memref<320000xi32, #tpu.memory_space<hbm>> -> memref<80xi32, #tpu.memory_space<hbm>>
        %dma_start3A_58 = tpu.memref_slice %arg4[%add3A_37] : memref<320000xi32, #tpu.memory_space<hbm>> -> memref<80xi32, #tpu.memory_space<hbm>>
        tpu.enqueue_dma source(%dma_start3A_58 : memref<80xi32, #tpu.memory_space<hbm>>) target(%arg16 : memref<80xi32, #tpu.memory_space<vmem>>) target_semaphore(%run_scoped3A : memref<!tpu.dma_semaphore, #tpu.memory_space<semaphore_mem>>)
        %dma_wait3A_59 = tpu.memref_slice %arg4[%add3A_37] : memref<320000xi32, #tpu.memory_space<hbm>> -> memref<80xi32, #tpu.memory_space<hbm>>
        %dma_wait3A_60 = tpu.memref_slice %arg4[%add3A_37] : memref<320000xi32, #tpu.memory_space<hbm>> -> memref<80xi32, #tpu.memory_space<hbm>>
        tpu.wait_dma2 semaphore(%run_scoped3A : memref<!tpu.dma_semaphore, #tpu.memory_space<semaphore_mem>>) src(%dma_wait3A_60 : memref<80xi32, #tpu.memory_space<hbm>>) dst(%arg16 : memref<80xi32, #tpu.memory_space<vmem>>)
        tpu.yield
      }) : () -> ()
      %dma_start3A_38 = arith.constant 0 : i32
      %dma_start3A_39 = arith.constant 0 : i32
      %dma_start3A_40 = tpu.memref_slice %arg2[%dma_start3A_38, %dma_start3A_39] : memref<10000x128xf32, #tpu.memory_space<hbm>> -> memref<10000x128xf32, #tpu.memory_space<hbm>>
      tpu.enqueue_indirect_dma source(%dma_start3A_40 : memref<10000x128xf32, #tpu.memory_space<hbm>>) target(%arg17 : memref<80x128xf32, #tpu.memory_space<vmem>>) offsets(%arg15 : memref<80xi32, #tpu.memory_space<vmem>>) semaphore(%arg21 : memref<!tpu.dma_semaphore, #tpu.memory_space<semaphore_mem>>)
      %dma_wait3A_41 = arith.constant 0 : i32
      %dma_wait3A_42 = arith.constant 0 : i32
      %dma_wait3A_43 = tpu.memref_slice %arg2[%dma_wait3A_41, %dma_wait3A_42] : memref<10000x128xf32, #tpu.memory_space<hbm>> -> memref<10000x128xf32, #tpu.memory_space<hbm>>
      tpu.wait_indirect_dma semaphore(%arg20 : memref<!tpu.dma_semaphore, #tpu.memory_space<semaphore_mem>>) src(%dma_wait3A_43 : memref<10000x128xf32, #tpu.memory_space<hbm>>) dst(%arg13 : memref<80x128xf32, #tpu.memory_space<vmem>>)
      "tpu.region"() ({
        %run_scoped3A = tpu.sem_alloc : memref<!tpu.dma_semaphore, #tpu.memory_space<semaphore_mem>>
        %dma_start3A_57 = arith.constant 0 : i32
        %dma_start3A_58 = arith.constant 0 : i32
        %dma_start3A_59 = tpu.memref_slice %arg18[%dma_start3A_57, %dma_start3A_58] : memref<10000x128xf32, #tpu.memory_space<vmem_shared>> -> memref<10000x128xf32, #tpu.memory_space<vmem_shared>>
        tpu.enqueue_indirect_dma source(%arg13 : memref<80x128xf32, #tpu.memory_space<vmem>>) target(%dma_start3A_59 : memref<10000x128xf32, #tpu.memory_space<vmem_shared>>) offsets(%arg12 : memref<80xi32, #tpu.memory_space<vmem>>) semaphore(%run_scoped3A : memref<!tpu.dma_semaphore, #tpu.memory_space<semaphore_mem>>) {add = true}
        %dma_wait3A_60 = arith.constant 0 : i32
        %dma_wait3A_61 = arith.constant 0 : i32
        %dma_wait3A_62 = tpu.memref_slice %arg18[%dma_wait3A_60, %dma_wait3A_61] : memref<10000x128xf32, #tpu.memory_space<vmem_shared>> -> memref<10000x128xf32, #tpu.memory_space<vmem_shared>>
        tpu.wait_indirect_dma semaphore(%run_scoped3A : memref<!tpu.dma_semaphore, #tpu.memory_space<semaphore_mem>>) src(%arg13 : memref<80x128xf32, #tpu.memory_space<vmem>>) dst(%dma_wait3A_62 : memref<10000x128xf32, #tpu.memory_space<vmem_shared>>)
        tpu.yield
      }) : () -> ()
      "tpu.region"() ({
        %run_scoped3A = tpu.sem_alloc : memref<!tpu.dma_semaphore, #tpu.memory_space<semaphore_mem>>
        %dma_start3A_57 = arith.constant 0 : i32
        %dma_start3A_58 = arith.constant 0 : i32
        %dma_start3A_59 = tpu.memref_slice %arg19[%dma_start3A_57, %dma_start3A_58] : memref<10000x16xf32, #tpu.memory_space<vmem_shared>> -> memref<10000x16xf32, #tpu.memory_space<vmem_shared>>
        tpu.enqueue_indirect_dma source(%arg14 : memref<80x16xf32, #tpu.memory_space<vmem>>) target(%dma_start3A_59 : memref<10000x16xf32, #tpu.memory_space<vmem_shared>>) offsets(%arg12 : memref<80xi32, #tpu.memory_space<vmem>>) semaphore(%run_scoped3A : memref<!tpu.dma_semaphore, #tpu.memory_space<semaphore_mem>>) {add = true}
        %dma_wait3A_60 = arith.constant 0 : i32
        %dma_wait3A_61 = arith.constant 0 : i32
        %dma_wait3A_62 = tpu.memref_slice %arg19[%dma_wait3A_60, %dma_wait3A_61] : memref<10000x16xf32, #tpu.memory_space<vmem_shared>> -> memref<10000x16xf32, #tpu.memory_space<vmem_shared>>
        tpu.wait_indirect_dma semaphore(%run_scoped3A : memref<!tpu.dma_semaphore, #tpu.memory_space<semaphore_mem>>) src(%arg14 : memref<80x16xf32, #tpu.memory_space<vmem>>) dst(%dma_wait3A_62 : memref<10000x16xf32, #tpu.memory_space<vmem_shared>>)
        tpu.yield
      }) : () -> ()
      %mul3A_44 = arith.constant 2 : i32
      %mul3A_45 = arith.muli %mul3A_44, %add3A_30 : i32
      %add3A_46 = arith.constant 2 : i32
      %add3A_47 = arith.addi %mul3A_45, %add3A_46 : i32
      %mul3A_48 = arith.constant 80 : i32
      %mul3A_49 = arith.muli %add3A_47, %mul3A_48 : i32
      %add3A_50 = arith.addi %mul3A_8, %mul3A_49 : i32
      "tpu.region"() ({
        %run_scoped3A = tpu.sem_alloc : memref<!tpu.dma_semaphore, #tpu.memory_space<semaphore_mem>>
        %dma_start3A_57 = tpu.memref_slice %arg3[%add3A_50] : memref<320000xi32, #tpu.memory_space<hbm>> -> memref<80xi32, #tpu.memory_space<hbm>>
        %dma_start3A_58 = tpu.memref_slice %arg3[%add3A_50] : memref<320000xi32, #tpu.memory_space<hbm>> -> memref<80xi32, #tpu.memory_space<hbm>>
        tpu.enqueue_dma source(%dma_start3A_58 : memref<80xi32, #tpu.memory_space<hbm>>) target(%arg11 : memref<80xi32, #tpu.memory_space<vmem>>) target_semaphore(%run_scoped3A : memref<!tpu.dma_semaphore, #tpu.memory_space<semaphore_mem>>)
        %dma_wait3A_59 = tpu.memref_slice %arg3[%add3A_50] : memref<320000xi32, #tpu.memory_space<hbm>> -> memref<80xi32, #tpu.memory_space<hbm>>
        %dma_wait3A_60 = tpu.memref_slice %arg3[%add3A_50] : memref<320000xi32, #tpu.memory_space<hbm>> -> memref<80xi32, #tpu.memory_space<hbm>>
        tpu.wait_dma2 semaphore(%run_scoped3A : memref<!tpu.dma_semaphore, #tpu.memory_space<semaphore_mem>>) src(%dma_wait3A_60 : memref<80xi32, #tpu.memory_space<hbm>>) dst(%arg11 : memref<80xi32, #tpu.memory_space<vmem>>)
        tpu.yield
      }) : () -> ()
      "tpu.region"() ({
        %run_scoped3A = tpu.sem_alloc : memref<!tpu.dma_semaphore, #tpu.memory_space<semaphore_mem>>
        %dma_start3A_57 = tpu.memref_slice %arg4[%add3A_50] : memref<320000xi32, #tpu.memory_space<hbm>> -> memref<80xi32, #tpu.memory_space<hbm>>
        %dma_start3A_58 = tpu.memref_slice %arg4[%add3A_50] : memref<320000xi32, #tpu.memory_space<hbm>> -> memref<80xi32, #tpu.memory_space<hbm>>
        tpu.enqueue_dma source(%dma_start3A_58 : memref<80xi32, #tpu.memory_space<hbm>>) target(%arg12 : memref<80xi32, #tpu.memory_space<vmem>>) target_semaphore(%run_scoped3A : memref<!tpu.dma_semaphore, #tpu.memory_space<semaphore_mem>>)
        %dma_wait3A_59 = tpu.memref_slice %arg4[%add3A_50] : memref<320000xi32, #tpu.memory_space<hbm>> -> memref<80xi32, #tpu.memory_space<hbm>>
        %dma_wait3A_60 = tpu.memref_slice %arg4[%add3A_50] : memref<320000xi32, #tpu.memory_space<hbm>> -> memref<80xi32, #tpu.memory_space<hbm>>
        tpu.wait_dma2 semaphore(%run_scoped3A : memref<!tpu.dma_semaphore, #tpu.memory_space<semaphore_mem>>) src(%dma_wait3A_60 : memref<80xi32, #tpu.memory_space<hbm>>) dst(%arg12 : memref<80xi32, #tpu.memory_space<vmem>>)
        tpu.yield
      }) : () -> ()
      %dma_start3A_51 = arith.constant 0 : i32
      %dma_start3A_52 = arith.constant 0 : i32
      %dma_start3A_53 = tpu.memref_slice %arg2[%dma_start3A_51, %dma_start3A_52] : memref<10000x128xf32, #tpu.memory_space<hbm>> -> memref<10000x128xf32, #tpu.memory_space<hbm>>
      tpu.enqueue_indirect_dma source(%dma_start3A_53 : memref<10000x128xf32, #tpu.memory_space<hbm>>) target(%arg13 : memref<80x128xf32, #tpu.memory_space<vmem>>) offsets(%arg11 : memref<80xi32, #tpu.memory_space<vmem>>) semaphore(%arg20 : memref<!tpu.dma_semaphore, #tpu.memory_space<semaphore_mem>>)
      %dma_wait3A_54 = arith.constant 0 : i32
      %dma_wait3A_55 = arith.constant 0 : i32
      %dma_wait3A_56 = tpu.memref_slice %arg2[%dma_wait3A_54, %dma_wait3A_55] : memref<10000x128xf32, #tpu.memory_space<hbm>> -> memref<10000x128xf32, #tpu.memory_space<hbm>>
      tpu.wait_indirect_dma semaphore(%arg21 : memref<!tpu.dma_semaphore, #tpu.memory_space<semaphore_mem>>) src(%dma_wait3A_56 : memref<10000x128xf32, #tpu.memory_space<hbm>>) dst(%arg17 : memref<80x128xf32, #tpu.memory_space<vmem>>)
      "tpu.region"() ({
        %run_scoped3A = tpu.sem_alloc : memref<!tpu.dma_semaphore, #tpu.memory_space<semaphore_mem>>
        %dma_start3A_57 = arith.constant 0 : i32
        %dma_start3A_58 = arith.constant 0 : i32
        %dma_start3A_59 = tpu.memref_slice %arg18[%dma_start3A_57, %dma_start3A_58] : memref<10000x128xf32, #tpu.memory_space<vmem_shared>> -> memref<10000x128xf32, #tpu.memory_space<vmem_shared>>
        tpu.enqueue_indirect_dma source(%arg17 : memref<80x128xf32, #tpu.memory_space<vmem>>) target(%dma_start3A_59 : memref<10000x128xf32, #tpu.memory_space<vmem_shared>>) offsets(%arg16 : memref<80xi32, #tpu.memory_space<vmem>>) semaphore(%run_scoped3A : memref<!tpu.dma_semaphore, #tpu.memory_space<semaphore_mem>>) {add = true}
        %dma_wait3A_60 = arith.constant 0 : i32
        %dma_wait3A_61 = arith.constant 0 : i32
        %dma_wait3A_62 = tpu.memref_slice %arg18[%dma_wait3A_60, %dma_wait3A_61] : memref<10000x128xf32, #tpu.memory_space<vmem_shared>> -> memref<10000x128xf32, #tpu.memory_space<vmem_shared>>
        tpu.wait_indirect_dma semaphore(%run_scoped3A : memref<!tpu.dma_semaphore, #tpu.memory_space<semaphore_mem>>) src(%arg17 : memref<80x128xf32, #tpu.memory_space<vmem>>) dst(%dma_wait3A_62 : memref<10000x128xf32, #tpu.memory_space<vmem_shared>>)
        tpu.yield
      }) : () -> ()
      "tpu.region"() ({
        %run_scoped3A = tpu.sem_alloc : memref<!tpu.dma_semaphore, #tpu.memory_space<semaphore_mem>>
        %dma_start3A_57 = arith.constant 0 : i32
        %dma_start3A_58 = arith.constant 0 : i32
        %dma_start3A_59 = tpu.memref_slice %arg19[%dma_start3A_57, %dma_start3A_58] : memref<10000x16xf32, #tpu.memory_space<vmem_shared>> -> memref<10000x16xf32, #tpu.memory_space<vmem_shared>>
        tpu.enqueue_indirect_dma source(%arg14 : memref<80x16xf32, #tpu.memory_space<vmem>>) target(%dma_start3A_59 : memref<10000x16xf32, #tpu.memory_space<vmem_shared>>) offsets(%arg16 : memref<80xi32, #tpu.memory_space<vmem>>) semaphore(%run_scoped3A : memref<!tpu.dma_semaphore, #tpu.memory_space<semaphore_mem>>) {add = true}
        %dma_wait3A_60 = arith.constant 0 : i32
        %dma_wait3A_61 = arith.constant 0 : i32
        %dma_wait3A_62 = tpu.memref_slice %arg19[%dma_wait3A_60, %dma_wait3A_61] : memref<10000x16xf32, #tpu.memory_space<vmem_shared>> -> memref<10000x16xf32, #tpu.memory_space<vmem_shared>>
        tpu.wait_indirect_dma semaphore(%run_scoped3A : memref<!tpu.dma_semaphore, #tpu.memory_space<semaphore_mem>>) src(%arg14 : memref<80x16xf32, #tpu.memory_space<vmem>>) dst(%dma_wait3A_62 : memref<10000x16xf32, #tpu.memory_space<vmem_shared>>)
        tpu.yield
      }) : () -> ()
    }
    %scan3A_17 = arith.constant 62 : i32
    %dma_wait3A = arith.constant 0 : i32
    %dma_wait3A_18 = arith.constant 0 : i32
    %dma_wait3A_19 = tpu.memref_slice %arg2[%dma_wait3A, %dma_wait3A_18] : memref<10000x128xf32, #tpu.memory_space<hbm>> -> memref<10000x128xf32, #tpu.memory_space<hbm>>
    tpu.wait_indirect_dma semaphore(%arg20 : memref<!tpu.dma_semaphore, #tpu.memory_space<semaphore_mem>>) src(%dma_wait3A_19 : memref<10000x128xf32, #tpu.memory_space<hbm>>) dst(%arg13 : memref<80x128xf32, #tpu.memory_space<vmem>>)
    "tpu.region"() ({
      %run_scoped3A = tpu.sem_alloc : memref<!tpu.dma_semaphore, #tpu.memory_space<semaphore_mem>>
      %dma_start3A_26 = arith.constant 0 : i32
      %dma_start3A_27 = arith.constant 0 : i32
      %dma_start3A_28 = tpu.memref_slice %arg18[%dma_start3A_26, %dma_start3A_27] : memref<10000x128xf32, #tpu.memory_space<vmem_shared>> -> memref<10000x128xf32, #tpu.memory_space<vmem_shared>>
      tpu.enqueue_indirect_dma source(%arg13 : memref<80x128xf32, #tpu.memory_space<vmem>>) target(%dma_start3A_28 : memref<10000x128xf32, #tpu.memory_space<vmem_shared>>) offsets(%arg12 : memref<80xi32, #tpu.memory_space<vmem>>) semaphore(%run_scoped3A : memref<!tpu.dma_semaphore, #tpu.memory_space<semaphore_mem>>) {add = true}
      %dma_wait3A_29 = arith.constant 0 : i32
      %dma_wait3A_30 = arith.constant 0 : i32
      %dma_wait3A_31 = tpu.memref_slice %arg18[%dma_wait3A_29, %dma_wait3A_30] : memref<10000x128xf32, #tpu.memory_space<vmem_shared>> -> memref<10000x128xf32, #tpu.memory_space<vmem_shared>>
      tpu.wait_indirect_dma semaphore(%run_scoped3A : memref<!tpu.dma_semaphore, #tpu.memory_space<semaphore_mem>>) src(%arg13 : memref<80x128xf32, #tpu.memory_space<vmem>>) dst(%dma_wait3A_31 : memref<10000x128xf32, #tpu.memory_space<vmem_shared>>)
      tpu.yield
    }) : () -> ()
    "tpu.region"() ({
      %run_scoped3A = tpu.sem_alloc : memref<!tpu.dma_semaphore, #tpu.memory_space<semaphore_mem>>
      %dma_start3A_26 = arith.constant 0 : i32
      %dma_start3A_27 = arith.constant 0 : i32
      %dma_start3A_28 = tpu.memref_slice %arg19[%dma_start3A_26, %dma_start3A_27] : memref<10000x16xf32, #tpu.memory_space<vmem_shared>> -> memref<10000x16xf32, #tpu.memory_space<vmem_shared>>
      tpu.enqueue_indirect_dma source(%arg14 : memref<80x16xf32, #tpu.memory_space<vmem>>) target(%dma_start3A_28 : memref<10000x16xf32, #tpu.memory_space<vmem_shared>>) offsets(%arg12 : memref<80xi32, #tpu.memory_space<vmem>>) semaphore(%run_scoped3A : memref<!tpu.dma_semaphore, #tpu.memory_space<semaphore_mem>>) {add = true}
      %dma_wait3A_29 = arith.constant 0 : i32
      %dma_wait3A_30 = arith.constant 0 : i32
      %dma_wait3A_31 = tpu.memref_slice %arg19[%dma_wait3A_29, %dma_wait3A_30] : memref<10000x16xf32, #tpu.memory_space<vmem_shared>> -> memref<10000x16xf32, #tpu.memory_space<vmem_shared>>
      tpu.wait_indirect_dma semaphore(%run_scoped3A : memref<!tpu.dma_semaphore, #tpu.memory_space<semaphore_mem>>) src(%arg14 : memref<80x16xf32, #tpu.memory_space<vmem>>) dst(%dma_wait3A_31 : memref<10000x16xf32, #tpu.memory_space<vmem_shared>>)
      tpu.yield
    }) : () -> ()
    %barrier3A_20 = arith.constant 0 : index
    tpu.barrier barrier_id(%barrier3A_20)
    %scan3A_21 = arith.constant 0 : i32
    %scan3A_22 = arith.constant 8 : i32
    %scan3A_23 = arith.addi %scan3A_21, %scan3A_22 : i32
    %scan3A_24 = arith.constant 1 : i32
    scf.for %scan3A_26 = %scan3A_21 to %scan3A_23 step %scan3A_24  : i32 {
      %mul3A_27 = arith.constant 1 : i32
      %mul3A_28 = arith.muli %scan3A_26, %mul3A_27 : i32
      %add3A_29 = arith.constant 0 : i32
      %add3A_30 = arith.addi %add3A_29, %mul3A_28 : i32
      %lt3A = arith.constant 13 : i32
      %lt3A_31 = arith.cmpi slt, %arg1, %lt3A : i32
      %mul3A_32 = arith.constant 80 : i32
      %mul3A_33 = arith.muli %arg1, %mul3A_32 : i32
      %add3A_34 = arith.constant 8960 : i32
      %add3A_35 = arith.addi %add3A_34, %mul3A_33 : i32
      %select_n3A = arith.select %lt3A_31, %add3A_35, %mul3A_2 : i32
      %lt3A_36 = arith.constant 7 : i32
      %lt3A_37 = arith.cmpi slt, %add3A_30, %lt3A_36 : i32
      %mul3A_38 = arith.constant 80 : i32
      %mul3A_39 = arith.muli %add3A_30, %mul3A_38 : i32
      %add3A_40 = arith.addi %mul3A_2, %mul3A_39 : i32
      %select_n3A_41 = arith.select %lt3A_37, %add3A_40, %select_n3A : i32
      "tpu.region"() ({
        %run_scoped3A = tpu.sem_alloc : memref<!tpu.dma_semaphore, #tpu.memory_space<semaphore_mem>>
        %dma_start3A_54 = tpu.memref_slice %arg5[%select_n3A_41] : memref<10000xi32, #tpu.memory_space<hbm>> -> memref<80xi32, #tpu.memory_space<hbm>>
        %dma_start3A_55 = tpu.memref_slice %arg5[%select_n3A_41] : memref<10000xi32, #tpu.memory_space<hbm>> -> memref<80xi32, #tpu.memory_space<hbm>>
        tpu.enqueue_dma source(%dma_start3A_55 : memref<80xi32, #tpu.memory_space<hbm>>) target(%arg11 : memref<80xi32, #tpu.memory_space<vmem>>) target_semaphore(%run_scoped3A : memref<!tpu.dma_semaphore, #tpu.memory_space<semaphore_mem>>)
        %dma_wait3A_56 = tpu.memref_slice %arg5[%select_n3A_41] : memref<10000xi32, #tpu.memory_space<hbm>> -> memref<80xi32, #tpu.memory_space<hbm>>
        %dma_wait3A_57 = tpu.memref_slice %arg5[%select_n3A_41] : memref<10000xi32, #tpu.memory_space<hbm>> -> memref<80xi32, #tpu.memory_space<hbm>>
        tpu.wait_dma2 semaphore(%run_scoped3A : memref<!tpu.dma_semaphore, #tpu.memory_space<semaphore_mem>>) src(%dma_wait3A_57 : memref<80xi32, #tpu.memory_space<hbm>>) dst(%arg11 : memref<80xi32, #tpu.memory_space<vmem>>)
        tpu.yield
      }) : () -> ()
      %dma_start3A_42 = arith.constant 0 : i32
      %dma_start3A_43 = arith.constant 0 : i32
      %dma_start3A_44 = tpu.memref_slice %arg18[%dma_start3A_42, %dma_start3A_43] : memref<10000x128xf32, #tpu.memory_space<vmem_shared>> -> memref<10000x128xf32, #tpu.memory_space<vmem_shared>>
      tpu.enqueue_indirect_dma source(%dma_start3A_44 : memref<10000x128xf32, #tpu.memory_space<vmem_shared>>) target(%arg13 : memref<80x128xf32, #tpu.memory_space<vmem>>) offsets(%arg11 : memref<80xi32, #tpu.memory_space<vmem>>) semaphore(%arg20 : memref<!tpu.dma_semaphore, #tpu.memory_space<semaphore_mem>>)
      %dma_wait3A_45 = arith.constant 0 : i32
      %dma_wait3A_46 = arith.constant 0 : i32
      %dma_wait3A_47 = tpu.memref_slice %arg18[%dma_wait3A_45, %dma_wait3A_46] : memref<10000x128xf32, #tpu.memory_space<vmem_shared>> -> memref<10000x128xf32, #tpu.memory_space<vmem_shared>>
      tpu.wait_indirect_dma semaphore(%arg20 : memref<!tpu.dma_semaphore, #tpu.memory_space<semaphore_mem>>) src(%dma_wait3A_47 : memref<10000x128xf32, #tpu.memory_space<vmem_shared>>) dst(%arg13 : memref<80x128xf32, #tpu.memory_space<vmem>>)
      "tpu.region"() ({
        %run_scoped3A = tpu.sem_alloc : memref<!tpu.dma_semaphore, #tpu.memory_space<semaphore_mem>>
        %dma_start3A_54 = arith.constant 0 : i32
        %dma_start3A_55 = tpu.memref_slice %arg9[%arg0, %select_n3A_41, %dma_start3A_54] : memref<2x10000x128xf32, #tpu.memory_space<hbm>> -> memref<1x80x128xf32, #tpu.memory_space<hbm>>
        %dma_start3A_56 = tpu.memref_squeeze %dma_start3A_55 : memref<1x80x128xf32, #tpu.memory_space<hbm>> -> memref<80x128xf32, #tpu.memory_space<hbm>>
        %dma_start3A_57 = arith.constant 0 : i32
        %dma_start3A_58 = tpu.memref_slice %arg9[%arg0, %select_n3A_41, %dma_start3A_57] : memref<2x10000x128xf32, #tpu.memory_space<hbm>> -> memref<1x80x128xf32, #tpu.memory_space<hbm>>
        %dma_start3A_59 = tpu.memref_squeeze %dma_start3A_58 : memref<1x80x128xf32, #tpu.memory_space<hbm>> -> memref<80x128xf32, #tpu.memory_space<hbm>>
        tpu.enqueue_dma source(%arg13 : memref<80x128xf32, #tpu.memory_space<vmem>>) target(%dma_start3A_59 : memref<80x128xf32, #tpu.memory_space<hbm>>) target_semaphore(%run_scoped3A : memref<!tpu.dma_semaphore, #tpu.memory_space<semaphore_mem>>)
        %dma_wait3A_60 = arith.constant 0 : i32
        %dma_wait3A_61 = tpu.memref_slice %arg9[%arg0, %select_n3A_41, %dma_wait3A_60] : memref<2x10000x128xf32, #tpu.memory_space<hbm>> -> memref<1x80x128xf32, #tpu.memory_space<hbm>>
        %dma_wait3A_62 = tpu.memref_squeeze %dma_wait3A_61 : memref<1x80x128xf32, #tpu.memory_space<hbm>> -> memref<80x128xf32, #tpu.memory_space<hbm>>
        %dma_wait3A_63 = arith.constant 0 : i32
        %dma_wait3A_64 = tpu.memref_slice %arg9[%arg0, %select_n3A_41, %dma_wait3A_63] : memref<2x10000x128xf32, #tpu.memory_space<hbm>> -> memref<1x80x128xf32, #tpu.memory_space<hbm>>
        %dma_wait3A_65 = tpu.memref_squeeze %dma_wait3A_64 : memref<1x80x128xf32, #tpu.memory_space<hbm>> -> memref<80x128xf32, #tpu.memory_space<hbm>>
        tpu.wait_dma2 semaphore(%run_scoped3A : memref<!tpu.dma_semaphore, #tpu.memory_space<semaphore_mem>>) src(%arg13 : memref<80x128xf32, #tpu.memory_space<vmem>>) dst(%dma_wait3A_65 : memref<80x128xf32, #tpu.memory_space<hbm>>)
        tpu.yield
      }) : () -> ()
      %dma_start3A_48 = arith.constant 0 : i32
      %dma_start3A_49 = arith.constant 0 : i32
      %dma_start3A_50 = tpu.memref_slice %arg19[%dma_start3A_48, %dma_start3A_49] : memref<10000x16xf32, #tpu.memory_space<vmem_shared>> -> memref<10000x16xf32, #tpu.memory_space<vmem_shared>>
      tpu.enqueue_indirect_dma source(%dma_start3A_50 : memref<10000x16xf32, #tpu.memory_space<vmem_shared>>) target(%arg14 : memref<80x16xf32, #tpu.memory_space<vmem>>) offsets(%arg11 : memref<80xi32, #tpu.memory_space<vmem>>) semaphore(%arg20 : memref<!tpu.dma_semaphore, #tpu.memory_space<semaphore_mem>>)
      %dma_wait3A_51 = arith.constant 0 : i32
      %dma_wait3A_52 = arith.constant 0 : i32
      %dma_wait3A_53 = tpu.memref_slice %arg19[%dma_wait3A_51, %dma_wait3A_52] : memref<10000x16xf32, #tpu.memory_space<vmem_shared>> -> memref<10000x16xf32, #tpu.memory_space<vmem_shared>>
      tpu.wait_indirect_dma semaphore(%arg20 : memref<!tpu.dma_semaphore, #tpu.memory_space<semaphore_mem>>) src(%dma_wait3A_53 : memref<10000x16xf32, #tpu.memory_space<vmem_shared>>) dst(%arg14 : memref<80x16xf32, #tpu.memory_space<vmem>>)
      "tpu.region"() ({
        %run_scoped3A = tpu.sem_alloc : memref<!tpu.dma_semaphore, #tpu.memory_space<semaphore_mem>>
        %dma_start3A_54 = arith.constant 0 : i32
        %dma_start3A_55 = tpu.memref_slice %arg10[%arg0, %select_n3A_41, %dma_start3A_54] : memref<2x10000x16xf32, #tpu.memory_space<hbm>> -> memref<1x80x16xf32, #tpu.memory_space<hbm>>
        %dma_start3A_56 = tpu.memref_squeeze %dma_start3A_55 : memref<1x80x16xf32, #tpu.memory_space<hbm>> -> memref<80x16xf32, #tpu.memory_space<hbm>>
        %dma_start3A_57 = arith.constant 0 : i32
        %dma_start3A_58 = tpu.memref_slice %arg10[%arg0, %select_n3A_41, %dma_start3A_57] : memref<2x10000x16xf32, #tpu.memory_space<hbm>> -> memref<1x80x16xf32, #tpu.memory_space<hbm>>
        %dma_start3A_59 = tpu.memref_squeeze %dma_start3A_58 : memref<1x80x16xf32, #tpu.memory_space<hbm>> -> memref<80x16xf32, #tpu.memory_space<hbm>>
        tpu.enqueue_dma source(%arg14 : memref<80x16xf32, #tpu.memory_space<vmem>>) target(%dma_start3A_59 : memref<80x16xf32, #tpu.memory_space<hbm>>) target_semaphore(%run_scoped3A : memref<!tpu.dma_semaphore, #tpu.memory_space<semaphore_mem>>)
        %dma_wait3A_60 = arith.constant 0 : i32
        %dma_wait3A_61 = tpu.memref_slice %arg10[%arg0, %select_n3A_41, %dma_wait3A_60] : memref<2x10000x16xf32, #tpu.memory_space<hbm>> -> memref<1x80x16xf32, #tpu.memory_space<hbm>>
        %dma_wait3A_62 = tpu.memref_squeeze %dma_wait3A_61 : memref<1x80x16xf32, #tpu.memory_space<hbm>> -> memref<80x16xf32, #tpu.memory_space<hbm>>
        %dma_wait3A_63 = arith.constant 0 : i32
        %dma_wait3A_64 = tpu.memref_slice %arg10[%arg0, %select_n3A_41, %dma_wait3A_63] : memref<2x10000x16xf32, #tpu.memory_space<hbm>> -> memref<1x80x16xf32, #tpu.memory_space<hbm>>
        %dma_wait3A_65 = tpu.memref_squeeze %dma_wait3A_64 : memref<1x80x16xf32, #tpu.memory_space<hbm>> -> memref<80x16xf32, #tpu.memory_space<hbm>>
        tpu.wait_dma2 semaphore(%run_scoped3A : memref<!tpu.dma_semaphore, #tpu.memory_space<semaphore_mem>>) src(%arg14 : memref<80x16xf32, #tpu.memory_space<vmem>>) dst(%dma_wait3A_65 : memref<80x16xf32, #tpu.memory_space<hbm>>)
        tpu.yield
      }) : () -> ()
    }
    %scan3A_25 = arith.constant 8 : i32
    return
  }
}

module attributes {stable_mosaic.version = 14 : i64} {
  func.func @_dense_body(%arg0: i32, %arg1: memref<1000x128xf32, #tpu.memory_space<vmem>>, %arg2: memref<1000x128xf32, #tpu.memory_space<vmem>>, %arg3: memref<1000x128xf32, #tpu.memory_space<vmem>>, %arg4: memref<1000x16xf32, #tpu.memory_space<vmem>>, %arg5: memref<1000x16xf32, #tpu.memory_space<vmem>>, %arg6: memref<128x128xf32, #tpu.memory_space<vmem>>, %arg7: memref<128x128xf32, #tpu.memory_space<vmem>>, %arg8: memref<1x128xf32, #tpu.memory_space<vmem>>, %arg9: memref<1000x128xf32, #tpu.memory_space<vmem>>) attributes {dimension_semantics = [#tpu.dimension_semantics<arbitrary>], iteration_bounds = array<i64: 10>, scalar_prefetch = 0 : i64, scratch_operands = 0 : i64, tpu.core_type = #tpu.core_type<tc>, window_params = [{transform_indices = @transform_0, window_bounds = array<i64: 1000, 128>}, {transform_indices = @transform_1, window_bounds = array<i64: 1000, 128>}, {transform_indices = @transform_2, window_bounds = array<i64: 1000, 128>}, {transform_indices = @transform_3, window_bounds = array<i64: 1000, 16>}, {transform_indices = @transform_4, window_bounds = array<i64: 1000, 16>}, {pipeline_mode = #tpu.pipeline_mode<synchronous>, transform_indices = @transform_5, window_bounds = array<i64: 128, 128>}, {pipeline_mode = #tpu.pipeline_mode<synchronous>, transform_indices = @transform_6, window_bounds = array<i64: 128, 128>}, {pipeline_mode = #tpu.pipeline_mode<synchronous>, transform_indices = @transform_7, window_bounds = array<i64: 1, 128>}, {transform_indices = @transform_8, window_bounds = array<i64: 1000, 128>}]} {
    %get3A = arith.constant 0 : index
    %get3A_0 = arith.constant 0 : index
    %get3A_1 = vector.load %arg4[%get3A, %get3A_0] : memref<1000x16xf32, #tpu.memory_space<vmem>>, vector<1000x1xf32>
    %get3A_2 = arith.constant 0 : index
    %get3A_3 = arith.constant 0 : index
    %get3A_4 = vector.load %arg5[%get3A_2, %get3A_3] : memref<1000x16xf32, #tpu.memory_space<vmem>>, vector<1000x1xf32>
    %add3A = arith.addf %get3A_1, %get3A_4 : vector<1000x1xf32>
    %max3A = arith.constant 1.000000e+00 : f32
    %max3A_5 = vector.broadcast %max3A : f32 to vector<1000x1xf32>
    %max3A_6 = arith.maximumf %add3A, %max3A_5 : vector<1000x1xf32>
    %div3A = arith.constant 1.000000e+00 : f32
    %div3A_7 = vector.broadcast %div3A : f32 to vector<1000x1xf32>
    %div3A_8 = arith.divf %div3A_7, %max3A_6 : vector<1000x1xf32>
    %get3A_9 = arith.constant 0 : index
    %get3A_10 = arith.constant 0 : index
    %get3A_11 = vector.load %arg2[%get3A_9, %get3A_10] : memref<1000x128xf32, #tpu.memory_space<vmem>>, vector<1000x128xf32>
    %get3A_12 = arith.constant 0 : index
    %get3A_13 = arith.constant 0 : index
    %get3A_14 = vector.load %arg3[%get3A_12, %get3A_13] : memref<1000x128xf32, #tpu.memory_space<vmem>>, vector<1000x128xf32>
    %add3A_15 = arith.addf %get3A_11, %get3A_14 : vector<1000x128xf32>
    %mul3A = vector.broadcast %div3A_8 : vector<1000x1xf32> to vector<1000x128xf32>
    %mul3A_16 = arith.mulf %add3A_15, %mul3A : vector<1000x128xf32>
    %get3A_17 = arith.constant 0 : index
    %get3A_18 = arith.constant 0 : index
    %get3A_19 = vector.load %arg1[%get3A_17, %get3A_18] : memref<1000x128xf32, #tpu.memory_space<vmem>>, vector<1000x128xf32>
    %get3A_20 = arith.constant 0 : index
    %get3A_21 = arith.constant 0 : index
    %get3A_22 = vector.load %arg6[%get3A_20, %get3A_21] : memref<128x128xf32, #tpu.memory_space<vmem>>, vector<128x128xf32>
    %dot_general3A = arith.constant dense<0.000000e+00> : vector<1000x128xf32>
    %dot_general3A_23 = tpu.matmul %get3A_19, %get3A_22, %dot_general3A {dimension_numbers = #tpu.dot_dimension_numbers<[1], [0], [0], [1], [0, 0, 1, 1], [], []>, transpose_lhs_hint = false} : vector<1000x128xf32>, vector<128x128xf32>, vector<1000x128xf32> -> vector<1000x128xf32>
    %get3A_24 = arith.constant 0 : index
    %get3A_25 = arith.constant 0 : index
    %get3A_26 = vector.load %arg7[%get3A_24, %get3A_25] : memref<128x128xf32, #tpu.memory_space<vmem>>, vector<128x128xf32>
    %dot_general3A_27 = arith.constant dense<0.000000e+00> : vector<1000x128xf32>
    %dot_general3A_28 = tpu.matmul %mul3A_16, %get3A_26, %dot_general3A_27 {dimension_numbers = #tpu.dot_dimension_numbers<[1], [0], [0], [1], [0, 0, 1, 1], [], []>, transpose_lhs_hint = false} : vector<1000x128xf32>, vector<128x128xf32>, vector<1000x128xf32> -> vector<1000x128xf32>
    %add3A_29 = arith.addf %dot_general3A_23, %dot_general3A_28 : vector<1000x128xf32>
    %get3A_30 = arith.constant 0 : index
    %get3A_31 = arith.constant 0 : index
    %get3A_32 = vector.load %arg8[%get3A_30, %get3A_31] : memref<1x128xf32, #tpu.memory_space<vmem>>, vector<1x128xf32>
    %add3A_33 = vector.broadcast %get3A_32 : vector<1x128xf32> to vector<1000x128xf32>
    %add3A_34 = arith.addf %add3A_29, %add3A_33 : vector<1000x128xf32>
    %max3A_35 = arith.constant 0.000000e+00 : f32
    %max3A_36 = vector.broadcast %max3A_35 : f32 to vector<1000x128xf32>
    %max3A_37 = arith.maximumf %add3A_34, %max3A_36 : vector<1000x128xf32>
    %swap3A = arith.constant 0 : index
    %swap3A_38 = arith.constant 0 : index
    %swap3A_39 = vector.load %arg9[%swap3A, %swap3A_38] : memref<1000x128xf32, #tpu.memory_space<vmem>>, vector<1000x128xf32>
    tpu.vector_store %arg9[%swap3A, %swap3A_38], %max3A_37 {strides = array<i32>} : memref<1000x128xf32, #tpu.memory_space<vmem>>, vector<1000x128xf32>,
    return
  }
  func.func @transform_0(%arg0: i32) -> (i32, i32) {
    %c0_i32 = arith.constant 0 : i32
    %c0_i32_0 = arith.constant 0 : i32
    return %arg0, %c0_i32 : i32, i32
  }
  func.func @transform_1(%arg0: i32) -> (i32, i32) {
    %c0_i32 = arith.constant 0 : i32
    %c0_i32_0 = arith.constant 0 : i32
    return %arg0, %c0_i32 : i32, i32
  }
  func.func @transform_2(%arg0: i32) -> (i32, i32) {
    %c0_i32 = arith.constant 0 : i32
    %c0_i32_0 = arith.constant 0 : i32
    return %arg0, %c0_i32 : i32, i32
  }
  func.func @transform_3(%arg0: i32) -> (i32, i32) {
    %c0_i32 = arith.constant 0 : i32
    %c0_i32_0 = arith.constant 0 : i32
    return %arg0, %c0_i32 : i32, i32
  }
  func.func @transform_4(%arg0: i32) -> (i32, i32) {
    %c0_i32 = arith.constant 0 : i32
    %c0_i32_0 = arith.constant 0 : i32
    return %arg0, %c0_i32 : i32, i32
  }
  func.func @transform_5(%arg0: i32) -> (i32, i32) {
    %c0_i32 = arith.constant 0 : i32
    %c0_i32_0 = arith.constant 0 : i32
    %c0_i32_1 = arith.constant 0 : i32
    return %c0_i32, %c0_i32_0 : i32, i32
  }
  func.func @transform_6(%arg0: i32) -> (i32, i32) {
    %c0_i32 = arith.constant 0 : i32
    %c0_i32_0 = arith.constant 0 : i32
    %c0_i32_1 = arith.constant 0 : i32
    return %c0_i32, %c0_i32_0 : i32, i32
  }
  func.func @transform_7(%arg0: i32) -> (i32, i32) {
    %c0_i32 = arith.constant 0 : i32
    %c0_i32_0 = arith.constant 0 : i32
    %c0_i32_1 = arith.constant 0 : i32
    return %c0_i32, %c0_i32_0 : i32, i32
  }
  func.func @transform_8(%arg0: i32) -> (i32, i32) {
    %c0_i32 = arith.constant 0 : i32
    %c0_i32_0 = arith.constant 0 : i32
    return %arg0, %c0_i32 : i32, i32
  }
}

module attributes {stable_mosaic.version = 14 : i64} {
  func.func @_dense_body(%arg0: i32, %arg1: memref<1000x128xf32, #tpu.memory_space<vmem>>, %arg2: memref<1000x128xf32, #tpu.memory_space<vmem>>, %arg3: memref<1000x128xf32, #tpu.memory_space<vmem>>, %arg4: memref<1000x16xf32, #tpu.memory_space<vmem>>, %arg5: memref<1000x16xf32, #tpu.memory_space<vmem>>, %arg6: memref<128x128xf32, #tpu.memory_space<vmem>>, %arg7: memref<128x128xf32, #tpu.memory_space<vmem>>, %arg8: memref<1x128xf32, #tpu.memory_space<vmem>>, %arg9: memref<1000x128xf32, #tpu.memory_space<vmem>>) attributes {dimension_semantics = [#tpu.dimension_semantics<arbitrary>], iteration_bounds = array<i64: 10>, scalar_prefetch = 0 : i64, scratch_operands = 0 : i64, tpu.core_type = #tpu.core_type<tc>, window_params = [{transform_indices = @transform_0, window_bounds = array<i64: 1000, 128>}, {transform_indices = @transform_1, window_bounds = array<i64: 1000, 128>}, {transform_indices = @transform_2, window_bounds = array<i64: 1000, 128>}, {transform_indices = @transform_3, window_bounds = array<i64: 1000, 16>}, {transform_indices = @transform_4, window_bounds = array<i64: 1000, 16>}, {pipeline_mode = #tpu.pipeline_mode<synchronous>, transform_indices = @transform_5, window_bounds = array<i64: 128, 128>}, {pipeline_mode = #tpu.pipeline_mode<synchronous>, transform_indices = @transform_6, window_bounds = array<i64: 128, 128>}, {pipeline_mode = #tpu.pipeline_mode<synchronous>, transform_indices = @transform_7, window_bounds = array<i64: 1, 128>}, {transform_indices = @transform_8, window_bounds = array<i64: 1000, 128>}]} {
    %get3A = arith.constant 0 : index
    %get3A_0 = arith.constant 0 : index
    %get3A_1 = vector.load %arg4[%get3A, %get3A_0] : memref<1000x16xf32, #tpu.memory_space<vmem>>, vector<1000x1xf32>
    %get3A_2 = arith.constant 0 : index
    %get3A_3 = arith.constant 0 : index
    %get3A_4 = vector.load %arg5[%get3A_2, %get3A_3] : memref<1000x16xf32, #tpu.memory_space<vmem>>, vector<1000x1xf32>
    %add3A = arith.addf %get3A_1, %get3A_4 : vector<1000x1xf32>
    %max3A = arith.constant 1.000000e+00 : f32
    %max3A_5 = vector.broadcast %max3A : f32 to vector<1000x1xf32>
    %max3A_6 = arith.maximumf %add3A, %max3A_5 : vector<1000x1xf32>
    %div3A = arith.constant 1.000000e+00 : f32
    %div3A_7 = vector.broadcast %div3A : f32 to vector<1000x1xf32>
    %div3A_8 = arith.divf %div3A_7, %max3A_6 : vector<1000x1xf32>
    %get3A_9 = arith.constant 0 : index
    %get3A_10 = arith.constant 0 : index
    %get3A_11 = vector.load %arg2[%get3A_9, %get3A_10] : memref<1000x128xf32, #tpu.memory_space<vmem>>, vector<1000x128xf32>
    %get3A_12 = arith.constant 0 : index
    %get3A_13 = arith.constant 0 : index
    %get3A_14 = vector.load %arg3[%get3A_12, %get3A_13] : memref<1000x128xf32, #tpu.memory_space<vmem>>, vector<1000x128xf32>
    %add3A_15 = arith.addf %get3A_11, %get3A_14 : vector<1000x128xf32>
    %mul3A = vector.broadcast %div3A_8 : vector<1000x1xf32> to vector<1000x128xf32>
    %mul3A_16 = arith.mulf %add3A_15, %mul3A : vector<1000x128xf32>
    %get3A_17 = arith.constant 0 : index
    %get3A_18 = arith.constant 0 : index
    %get3A_19 = vector.load %arg1[%get3A_17, %get3A_18] : memref<1000x128xf32, #tpu.memory_space<vmem>>, vector<1000x128xf32>
    %get3A_20 = arith.constant 0 : index
    %get3A_21 = arith.constant 0 : index
    %get3A_22 = vector.load %arg6[%get3A_20, %get3A_21] : memref<128x128xf32, #tpu.memory_space<vmem>>, vector<128x128xf32>
    %dot_general3A = arith.constant dense<0.000000e+00> : vector<1000x128xf32>
    %dot_general3A_23 = tpu.matmul %get3A_19, %get3A_22, %dot_general3A {dimension_numbers = #tpu.dot_dimension_numbers<[1], [0], [0], [1], [0, 0, 1, 1], [], []>, transpose_lhs_hint = false} : vector<1000x128xf32>, vector<128x128xf32>, vector<1000x128xf32> -> vector<1000x128xf32>
    %get3A_24 = arith.constant 0 : index
    %get3A_25 = arith.constant 0 : index
    %get3A_26 = vector.load %arg7[%get3A_24, %get3A_25] : memref<128x128xf32, #tpu.memory_space<vmem>>, vector<128x128xf32>
    %dot_general3A_27 = arith.constant dense<0.000000e+00> : vector<1000x128xf32>
    %dot_general3A_28 = tpu.matmul %mul3A_16, %get3A_26, %dot_general3A_27 {dimension_numbers = #tpu.dot_dimension_numbers<[1], [0], [0], [1], [0, 0, 1, 1], [], []>, transpose_lhs_hint = false} : vector<1000x128xf32>, vector<128x128xf32>, vector<1000x128xf32> -> vector<1000x128xf32>
    %add3A_29 = arith.addf %dot_general3A_23, %dot_general3A_28 : vector<1000x128xf32>
    %get3A_30 = arith.constant 0 : index
    %get3A_31 = arith.constant 0 : index
    %get3A_32 = vector.load %arg8[%get3A_30, %get3A_31] : memref<1x128xf32, #tpu.memory_space<vmem>>, vector<1x128xf32>
    %add3A_33 = vector.broadcast %get3A_32 : vector<1x128xf32> to vector<1000x128xf32>
    %add3A_34 = arith.addf %add3A_29, %add3A_33 : vector<1000x128xf32>
    %swap3A = arith.constant 0 : index
    %swap3A_35 = arith.constant 0 : index
    %swap3A_36 = vector.load %arg9[%swap3A, %swap3A_35] : memref<1000x128xf32, #tpu.memory_space<vmem>>, vector<1000x128xf32>
    tpu.vector_store %arg9[%swap3A, %swap3A_35], %add3A_34 {strides = array<i32>} : memref<1000x128xf32, #tpu.memory_space<vmem>>, vector<1000x128xf32>,
    return
  }
  func.func @transform_0(%arg0: i32) -> (i32, i32) {
    %c0_i32 = arith.constant 0 : i32
    %c0_i32_0 = arith.constant 0 : i32
    return %arg0, %c0_i32 : i32, i32
  }
  func.func @transform_1(%arg0: i32) -> (i32, i32) {
    %c0_i32 = arith.constant 0 : i32
    %c0_i32_0 = arith.constant 0 : i32
    return %arg0, %c0_i32 : i32, i32
  }
  func.func @transform_2(%arg0: i32) -> (i32, i32) {
    %c0_i32 = arith.constant 0 : i32
    %c0_i32_0 = arith.constant 0 : i32
    return %arg0, %c0_i32 : i32, i32
  }
  func.func @transform_3(%arg0: i32) -> (i32, i32) {
    %c0_i32 = arith.constant 0 : i32
    %c0_i32_0 = arith.constant 0 : i32
    return %arg0, %c0_i32 : i32, i32
  }
  func.func @transform_4(%arg0: i32) -> (i32, i32) {
    %c0_i32 = arith.constant 0 : i32
    %c0_i32_0 = arith.constant 0 : i32
    return %arg0, %c0_i32 : i32, i32
  }
  func.func @transform_5(%arg0: i32) -> (i32, i32) {
    %c0_i32 = arith.constant 0 : i32
    %c0_i32_0 = arith.constant 0 : i32
    %c0_i32_1 = arith.constant 0 : i32
    return %c0_i32, %c0_i32_0 : i32, i32
  }
  func.func @transform_6(%arg0: i32) -> (i32, i32) {
    %c0_i32 = arith.constant 0 : i32
    %c0_i32_0 = arith.constant 0 : i32
    %c0_i32_1 = arith.constant 0 : i32
    return %c0_i32, %c0_i32_0 : i32, i32
  }
  func.func @transform_7(%arg0: i32) -> (i32, i32) {
    %c0_i32 = arith.constant 0 : i32
    %c0_i32_0 = arith.constant 0 : i32
    %c0_i32_1 = arith.constant 0 : i32
    return %c0_i32, %c0_i32_0 : i32, i32
  }
  func.func @transform_8(%arg0: i32) -> (i32, i32) {
    %c0_i32 = arith.constant 0 : i32
    %c0_i32_0 = arith.constant 0 : i32
    return %arg0, %c0_i32 : i32, i32
  }
}

</mosaic_0001>

<sc_bundles>
// kernel: kernel.6.cloned.1.call-start
scs
__scs_entry_jumppad:
0x0: {  	(pc) =	sbr.rel $0x88, $3  }
0x1: {  	(tag) =	ssettag $0x0;
	lr =	simm.s32 $0x1  }
0x2: {  	[smem:$0x3F98] =	sst lr;
	_ =	strace $0xD0000000  }
0x3: {  	_ = 	snop  }
0x4: {  	_ = 	snop  }
0x5: {  	_ = 	snop  }
0x6: {  	_ = 	snop  }
0x7: {  	_ = 	snop  }
__scs_overlays_trampoline_lowered:
0x8: {  	[smem:$0x3FA7] =	sst s0  }
0x9: {  	[smem:$0x3FA8] =	sst s1  }
0xa: {  	[smem:$0x3FA9] =	sst s2  }
0xb: {  	[smem:$0x3FAA] =	sst s3  }
0xc: {  	[smem:$0x3FAB] =	sst s4  }
0xd: {  	[smem:$0x3FAC] =	sst s5  }
0xe: {  	[smem:$0x3FAD] =	sst s6  }
0xf: {  	[smem:$0x3FAE] =	sst s7  }
0x10: {  	[smem:$0x3FAF] =	sst s8  }
0x11: {  	[smem:$0x3FB0] =	sst s9;
	s0 =	simm.s32 @!p0 $0x0  }
0x12: {  	s1 =	sld [smem:$0x3F96];
	s0 =	simm.s32 @p0 $0x1  }
0x13: {  	[smem:$0x3FB1] =	sst s0;
	s0 =	simm.s32 @!p1 $0x0  }
0x14: {  	s2 =	sld [smem:$0x3F95];
	s0 =	simm.s32 @p1 $0x1  }
0x15: {  	[smem:$0x3FB2] =	sst s0;
	s0 =	simm.s32 @!p2 $0x0  }
0x16: {  	s3 =	sld [smem:$0x3FDB];
	s0 =	simm.s32 @p2 $0x1  }
0x17: {  	s4 =	simm.s32 $0x1BF5;
	[smem:$0x3FB4] =	sst s0  }
0x18: {  	s0 =	sld [smem:$0x3F97];
	_ =	swait.ge [sflag:s4], $0x0  }
0x19: {  	s7 =	sld [smem:$0x3F98]  }
0x1a: {  	s8 =	sadd.s32 $0xFFFFE003, lr  }
0x1b: {  	s9 =	sadd.s32 $0xFFFFFEF7, lr;
	s5 =	simm.s32 $0xFFFFFFFF;
	p2 =	slt.u32 s8, $0xFFFFF086  }
0x1c: {  	p1 =	slt.u32 s9, $0xF7A;
	s5 =	simm.s32 @!p2 $0x0  }
0x1d: {  	s5 =	simm.s32 @p1 $0x1;
	p0 =	seq.s32 s7, s2  }
0x1e: {  	s7 =	smul.u32 @!p0 $0xF7A, s2;
	p2 =	seq.s32 @!p0 s5, $0x0  }
0x1f: {  	s9 =	smul.u32 $0xF7A, s1;
	s8 =	simm.s32 @!p0 $0x1BF5;
	p2 =	por !p2, p0  }
0x20: {  	[sflag:s8] =	ssyncset.s32 @!p0 $0xFFFFF086;
	s6 =	sadd.s32 @!p0 s3, s7;
	s7 =	simm.s32 @!p0 $0x108  }
0x21: {  	s3 =	sadd.s32 s3, s9;
	s6 =	sadd.s32 @!p0 $0x88, s6;
	s7 =	simm.s32 @p2 $0x1082  }
0x22: {  	[simem:s7], [sflag:s8] =	dma.local @!p0 [hbm:s6], $0xF7A  }
0x23: {  	s9 =	sor.u32 $0xD0000000, s2;
	s6 =	simm.s32 $0x108;
	_ =	swait.ge @!p0 [sflag:s8], $0x0  }
0x24: {  	s3 =	sadd.s32 $0x88, s3;
	s6 =	simm.s32 @!p1 $0x1082;
	[sflag:s4] =	ssyncset.s32 $0xFFFFF086  }
0x25: {  	[simem:s6], [sflag:s4] =	dma.local [hbm:s3], $0xF7A  }
0x26: {  	[smem:$0x3F98] =	sst s1;
	(tag) =	ssettag s2;
	_ =	strace s9  }
0x27: {  	s1 =	sld [smem:$0x3FA8]  }
0x28: {  	s2 =	sld [smem:$0x3FA9]  }
0x29: {  	s4 =	sld [smem:$0x3FAB]  }
0x2a: {  	p0 =	seq.s32 s5, $0x0;
	s5 =	sld [smem:$0x3FAC]  }
0x2b: {  	s6 =	sld [smem:$0x3FAD]  }
0x2c: {  	s7 =	sld [smem:$0x3FAE]  }
0x2d: {  	s3 =	simm.s32 $0x108;
	s8 =	sld [smem:$0x3FAF]  }
0x2e: {  	s3 =	simm.s32 @!p0 $0x1082;
	s9 =	sld [smem:$0x3FB0]  }
0x2f: {  	lr =	sadd.s32 s0, s3;
	s0 =	sld [smem:$0x3FA7]  }
0x30: {  	s3 =	sld [smem:$0x3FAA]  }
0x31: {  	[smem:$0x3FB3] =	sst s10  }
0x32: {  	s10 =	sld [smem:$0x3FB1];
	_ =	sdelay $0x3  }
0x33: {  	p0 =	seq.s32 s10, $0x1;
	s10 =	sld [smem:$0x3FB3];
	_ =	sdelay $0x3  }
0x34: {  	[smem:$0x3FB3] =	sst s10  }
0x35: {  	s10 =	sld [smem:$0x3FB2];
	_ =	sdelay $0x3  }
0x36: {  	p1 =	seq.s32 s10, $0x1;
	s10 =	sld [smem:$0x3FB3];
	_ =	sdelay $0x3  }
0x37: {  	[smem:$0x3FB3] =	sst s10  }
0x38: {  	s10 =	sld [smem:$0x3FB4]  }
0x39: {  	_ = 	snop;
	(pc) =	sbr.ind lr, $3  }
0x3a: {  	_ = 	snop  }
0x3b: {  	_ = 	snop  }
0x3c: {  	p2 =	seq.s32 s10, $0x1;
	s10 =	sld [smem:$0x3FB3]  }
0x3d: {  	_ =	shalt  }
0x3e: {  	_ =	shalt  }
0x3f: {  	_ =	shalt  }
0x40: {  	_ =	shalt  }
0x41: {  	_ =	shalt  }
0x42: {  	_ =	shalt  }
0x43: {  	_ =	shalt  }
0x44: {  	_ =	shalt  }
0x45: {  	_ =	shalt  }
0x46: {  	_ =	shalt  }
0x47: {  	_ =	shalt  }
0x48: {  	_ =	shalt  }
0x49: {  	_ =	shalt  }
0x4a: {  	_ =	shalt  }
0x4b: {  	_ =	shalt  }
0x4c: {  	_ =	shalt  }
0x4d: {  	_ =	shalt  }
0x4e: {  	_ =	shalt  }
0x4f: {  	_ =	shalt  }
0x50: {  	_ =	shalt  }
0x51: {  	_ =	shalt  }
0x52: {  	_ =	shalt  }
0x53: {  	_ =	shalt  }
0x54: {  	_ =	shalt  }
0x55: {  	_ =	shalt  }
0x56: {  	_ =	shalt  }
0x57: {  	_ =	shalt  }
0x58: {  	_ =	shalt  }
0x59: {  	_ =	shalt  }
0x5a: {  	_ =	shalt  }
0x5b: {  	_ =	shalt  }
0x5c: {  	_ =	shalt  }
0x5d: {  	_ =	shalt  }
0x5e: {  	_ =	shalt  }
0x5f: {  	_ =	shalt  }
0x60: {  	_ =	shalt  }
0x61: {  	_ =	shalt  }
0x62: {  	_ =	shalt  }
0x63: {  	_ =	shalt  }
0x64: {  	_ =	shalt  }
0x65: {  	_ =	shalt  }
0x66: {  	_ =	shalt  }
0x67: {  	_ =	shalt  }
0x68: {  	_ =	shalt  }
0x69: {  	_ =	shalt  }
0x6a: {  	_ =	shalt  }
0x6b: {  	_ =	shalt  }
0x6c: {  	_ =	shalt  }
0x6d: {  	_ =	shalt  }
0x6e: {  	_ =	shalt  }
0x6f: {  	_ =	shalt  }
0x70: {  	_ =	shalt  }
0x71: {  	_ =	shalt  }
0x72: {  	_ =	shalt  }
0x73: {  	_ =	shalt  }
0x74: {  	_ =	shalt  }
0x75: {  	_ =	shalt  }
0x76: {  	_ =	shalt  }
0x77: {  	_ =	shalt  }
0x78: {  	_ =	shalt  }
0x79: {  	_ =	shalt  }
0x7a: {  	_ =	shalt  }
0x7b: {  	_ =	shalt  }
0x7c: {  	_ =	shalt  }
0x7d: {  	_ =	shalt  }
0x7e: {  	_ =	shalt  }
0x7f: {  	_ =	shalt  }
0x80: {  	_ =	shalt  }
0x81: {  	_ =	shalt  }
0x82: {  	_ =	shalt  }
0x83: {  	_ =	shalt  }
0x84: {  	_ =	shalt  }
0x85: {  	_ =	shalt  }
0x86: {  	_ =	shalt  }
0x87: {  	_ =	shalt  }
.Lfunc_end0:
.L_simem_size_0:
called_computation_lowered:
.L_overlay_start_0:
0x88: {  	s2 =	sld [smem:$0x3FD9]  }
0x89: {  	s3 =	sld [smem:$0x3FFE];
	_ =	sdelay $0x1  }
0x8a: {  	s1 =	srdreg.scid  }
0x8b: {  	s0 =	sand.u32 $0x1, s1  }
0x8c: {  	s17 =	sshll.u32 s0, $0xA;
	s2 =	sadd.s32 s3, s2  }
0x8d: {  	s2 =	sadd.s32 s2, s17  }
0x8e: {  	[smem:$0x3FBF] =	sst s2  }
0x8f: {  	_ = 	snop  }
0x90: {  	s2 =	sld [smem:$0x3FC9]  }
0x91: {  	s18 =	sld [smem:$0x3FD0];
	(tm) =	ssettm $0x1  }
0x92: {  	s4 =	sld [smem:$0x3FFB];
	_ =	sdelay $0x3  }
0x93: {  	_ =	strace s4  }
0x94: {  	s4 =	sld [smem:$0x3FFC];
	_ =	sdelay $0x3  }
0x95: {  	_ =	strace s4  }
0x96: {  	s4 =	sld [smem:$0x3FFD];
	_ =	sdelay $0x3  }
0x97: {  	_ =	strace s4  }
0x98: {  	_ =	strace $0x8FFFFFFF  }
0x99: {  	s19 =	sld [smem:$0x3FDB];
	_ =	sdelay $0x1  }
0x9a: {  	s5 =	simm.s32 $_scs_section_size  }
0x9b: {  	s6 =	simm.s32 $_size__tile_overlayer_lowered;
	s7 =	simm.s32 $_tile_overlayer_lowered  }
0x9c: {  	s22 =	simm.s32 $0x1BFF;
	s21 =	sshll.u32 s7, $0x1;
	s4 =	sadd.s32 s5, s19  }
0x9d: {  	s8 =	simm.s32 $0x0;
	s20 =	sshll.u32 s6, $0x1;
	s6 =	sadd.s32 s21, s4  }
0x9e: {  	[timem:s8], [sflag:s22] =	dma.local [hbm:s6], s20  }
0x9f: {  	_ =	swait.ge [sflag:s22], s20  }
0xa0: {  	s5 =	ssub.s32 $0x0, s20;
	[sflag:s22] =	ssyncset.done $0x0  }
0xa1: {  	[sflag:s22] =	ssyncadd.s32 s5;
	_ =	sdelay $0x1  }
0xa2: {  	s23 =	simm.s32 $0x1B8B  }
0xa3: {  	_ =	swait.ge [sflag:s23], $0x1  }
0xa4: {  	[sflag:s23] =	ssyncset.done $0x0  }
0xa5: {  	s25 =	simm.s32 $0x1B8E;
	s24 =	sld [smem:$0x3FFE];
	[sflag:s23] =	ssyncadd.s32 $0xFFFFFFFF  }
0xa6: {  	s26 =	simm.s32 $execute0_lowered;
	[smem:$0x3FD2] =	sst s25  }
0xa7: {  	s6 =	sshll.u32 s26, $0x1;
	_ =	strace $0x80000046;
	[dreg:$0x1] =	wrdreg $0xFFFFFFFF  }
0xa8: {  	s28 =	simm.s32 $_size_execute0_lowered;
	s4 =	sadd.s32 s4, s6;
	[dreg:$0x0] =	wrdreg $0x0  }
0xa9: {  	s6 =	sshll.u32 s28, $0x1;
	[dreg:$0x2] =	wrdreg s4  }
0xaa: {  	[dreg:$0x3] =	wrdreg s6  }
0xab: {  	[dreg:$0x4] =	wrdreg $0xC0  }
0xac: {  	_ =	task [dreg:s8], $0x5FFFF  }
0xad: {  	[dreg:$0x1] =	wrdreg $0xFFFFFFFF  }
0xae: {  	[dreg:$0x0] =	wrdreg $0x60  }
0xaf: {  	[dreg:$0x2] =	wrdreg s2  }
0xb0: {  	[dreg:$0x3] =	wrdreg s24  }
0xb1: {  	[dreg:$0x4] =	wrdreg s18  }
0xb2: {  	[dreg:$0x5] =	wrdreg $0x56400  }
0xb3: {  	[dreg:$0x6] =	wrdreg $0x18EC00  }
0xb4: {  	[dreg:$0x7] =	wrdreg $0x9  }
0xb5: {  	_ =	task.clear_ibuf [dreg:s8], $0x8FFFF;
	_ =	strace $0x90000046  }
0xb6: {  	s29 =	simm.s32 $0x9;
	_ =	strace $0x80000048  }
0xb7: {  	_ =	swait.ge [sflag:s29], $0x1  }
0xb8: {  	[sflag:s29] =	ssyncadd.s32 $0xFFFFFFFF  }
0xb9: {  	_ =	strace $0x90000048  }
0xba: {  	_ =	sfence  }
0xbb: {  	s30 =	sld [smem:$0x0];
	_ =	sdelay $0x2  }
0xbc: {  	s31 =	sshll.u32 s1, $0xD;
	s1 =	sshrl.u32 s1, $0x2  }
0xbd: {  	s3 =	sand.u32 $0x4000, s31;
	s1 =	sadd.s32 s1, s30  }
0xbe: {  	s0 =	sor.u32 s3, s0;
	s1 =	sshll.u32 s1, $0x11  }
0xbf: {  	s0 =	sor.u32 s1, s0  }
0xc0: {  	s0 =	sadd.s32 $0x8F2B, s0  }
0xc1: {  	[sflag:s0] =	ssyncadd.remote.s32 $0x1  }
0xc2: {  	_ =	sfence.sel $0xFFFF  }
0xc3: {  	[dreg:$0x0] =	wrdreg $0xFFFFFFFF;
	(pc) =	sbr.abs _section_cstart, $3  }
0xc4: {  	[dreg:$0x1] =	wrdreg $0xFFFFFFFF  }
0xc5: {  	_ =	task.clear_ibuf [dreg:s8], $0x2FFFF;
	_ =	strace $0x9FFFFFFF  }
0xc6: {  	(tm) =	ssettm $0x7FFFFFFF  }
0xc7: {  	_ =	shalt  }
tec
execute0_lowered:
.L_overlay_start_1:
0x0: {  	(tag) =	ssettag $0x1  }
0x1: {  	s1 =	rddreg [dreg:$0x0]  }
0x2: {  	s0 =	rddreg [dreg:$0x1]  }
0x3: {  	s2 =	rddreg [dreg:$0x2]  }
0x4: {  	s3 =	rddreg [dreg:$0x3]  }
0x5: {  	s4 =	rddreg [dreg:$0x4];
	s5 =	simm.s32 $0x0  }
0x6: {  	s8 =	srdreg.scid;
	s17 =	stileid.u32;
	s31 =	simm.s32 $0xA0  }
0x7: {  	[smem:$0x7FF] =	sst s5;
	s6 =	sadd.s32 $0x2600, s0;
	s7 =	sadd.s32 $0xC600, s0  }
0x8: {  	s9 =	sadd.s32 $0xCC00, s0;
	s20 =	sadd.s32 $0xD200, s0;
	s11 =	smul.u32 $0x50, s17  }
0x9: {  	s8 =	sand.u32 $0x1, s8;
	s21 =	sadd.s32 $0xC400, s0;
	s28 =	smul.u32 $0x11800, s17  }
0xa: {  	s12 =	sadd.s32 $0xD400, s0;
	s0 =	sadd.s32 $0x5B600, s0;
	s29 =	smul.u32 $0x46, s17  }
0xb: {  	_ =	strace $0x80000047;
	[dreg:$0x6] =	wrdreg s9;
	s15 =	smul.u32 $0x138800, s8  }
0xc: {  	s22 =	sshll.u32 s8, $0x4;
	s10 =	ssub.s32 $0x2, s8;
	s8 =	smul.u32 $0x27100, s8  }
0xd: {  	[dreg:$0x7] =	wrdreg s20;
	s20 =	smul.u32 $0x2710, s17;
	s9 =	sor.u32 s17, s22  }
0xe: {  	p0 =	slt.u32 s17, $0xD;
	s13 =	sshrl.u32 s10, $0x1;
	s9 =	smul.u32 $0x2710, s9  }
0xf: {  	[dreg:$0x8] =	wrdreg s21;
	s10 =	ssub.s32 s10, s13;
	s13 =	smul.u32 $0x230, s17  }
0x10: {  	s21 =	smul.u32 $0x2300, s17;
	s11 =	sadd.s32 $0x2300, s11;
	s18 =	sadd.s32 s29, s7  }
0x11: {  	s24 =	smax.u32 s10, $0x1;
	s9 =	sshrl.u32 s9, $0x3;
	s23 =	sshrl.u32 s13, $0x3  }
0x12: {  	s13 =	smov.u32 @p0 s11;
	[dreg:$0xb] =	wrdreg s24;
	s11 =	sadd.s32 s28, s15  }
0x13: {  	s24 =	sadd.s32 s20, s8;
	s14 =	sadd.s32 s6, s9;
	s9 =	sadd.s32 s2, s9  }
0x14: {  	s25 =	sshll.u32 s13, $0x7;
	s26 =	sshrl.u32 s13, $0x3;
	[dreg:$0x9] =	wrdreg s14  }
0x15: {  	s10 =	sshrl.u32 s11, $0x3;
	s11 =	simm.s32 $0x2E40;
	[dreg:$0xa] =	wrdreg s9  }
0x16: {  	s14 =	sadd.s32 s7, s23;
	s9 =	sadd.s32 s15, s25;
	s15 =	sshll.u32 s13, $0x4  }
0x17: {  	s19 =	sadd.s32 s10, s12;
	s25 =	sadd.s32 $0x50, s24;
	s10 =	simm.s32 $0x2DF0  }
0x18: {  	s13 =	simm.s32 $0x2;
	s16 =	sadd.s32 $0xA, s14;
	s9 =	sshrl.u32 s9, $0x3  }
0x19: {  	s22 =	sadd.s32 $0x14, s14;
	s23 =	sadd.s32 s8, s15;
	s28 =	sadd.s32 $0x28, s14  }
0x1a: {  	s29 =	sadd.s32 $0x32, s14;
	s30 =	sadd.s32 $0x3C, s14;
	[dreg:$0xc] =	wrdreg s16  }
0x1b: {  	s15 =	simm.s32 $0x0;
	s16 =	sadd.s32 s7, s26;
	[dreg:$0xe] =	wrdreg s22  }
0x1c: {  	s9 =	sadd.s32 s12, s9;
	s7 =	sadd.s32 s21, s8;
	[dreg:$0x11] =	wrdreg s28  }
0x1d: {  	s8 =	sshrl.u32 s25, $0x3;
	s22 =	sadd.s32 $0xA0, s24;
	[dreg:$0x12] =	wrdreg s29  }
0x1e: {  	s26 =	sadd.s32 $0x1E, s14;
	s12 =	simm.s32 $0x1;
	[dreg:$0xd] =	wrdreg s9  }
0x1f: {  	s9 =	sshrl.u32 s23, $0x3;
	s7 =	sshrl.u32 s7, $0x3;
	s24 =	sadd.s32 s8, s2  }
0x20: {  	s25 =	sadd.s32 s8, s6;
	[dreg:$0x10] =	wrdreg s26;
	s8 =	simm.s32 $0x50  }
0x21: {  	s9 =	sadd.s32 s0, s9;
	s23 =	sadd.s32 s7, s0;
	s0 =	simm.s32 $0x3  }
0x22: {  	s7 =	simm.s32 $0x28A0;
	[dreg:$0xf] =	wrdreg s9;
	s9 =	simm.s32 $0x2DA0  }
.LBB2_1:
0x23: {  	s17 =	rddreg [dreg:$0x6]  }
0x24: {  	[tilespmem:s31], [sflag:$0x3] =	stream.linear.gather [hbm4b:s17+s5], $0x2800, $0x38;
	[tilespmem:$0x1B5D0] =	vst v63  }
0x25: {  	_ =	swait.ge [sflag:s0], $0x2800  }
0x26: {  	[sflag:s0] =	ssyncset.done $0x0  }
0x27: {  	s28 =	rddreg [dreg:$0x7];
	[sflag:s0] =	ssyncadd.s32 $0xFFFFD800  }
0x28: {  	[tilespmem:s7], [sflag:$0x3] =	stream.linear.gather [hbm4b:s28+s5], $0x500, $0x38;
	[tilespmem:$0x1B5D0] =	vst v63  }
0x29: {  	_ =	swait.ge [sflag:s0], $0x500  }
0x2a: {  	[sflag:s0] =	ssyncset.done $0x0  }
0x2b: {  	[sflag:s0] =	ssyncadd.s32 $0xFFFFFB00  }
0x2c: {  	[tilespmem:s5], [sflag:$0x3] =	stream.linear.gather [hbm4b:s14+s5], $0x50, $0x38;
	[tilespmem:$0x1B5D0] =	vst v63  }
0x2d: {  	_ =	swait.ge [sflag:s0], $0x50  }
0x2e: {  	[sflag:s0] =	ssyncset.done $0x0  }
0x2f: {  	[sflag:s0] =	ssyncadd.s32 $0xFFFFFFB0  }
0x30: {  	[spmem:s3] =	stream.indirect.scatter [tilespmem:s31], [sflag:$0x3], $0x80, s5, s8, $0xb8;
	[tilespmem:$0x1B5D0] =	vst v63  }
0x31: {  	_ =	swait.ge [sflag:s0], $0x2800  }
0x32: {  	[sflag:s0] =	ssyncset.done $0x0  }
0x33: {  	[sflag:s0] =	ssyncadd.s32 $0xFFFFD800  }
0x34: {  	[spmem:s4] =	stream.indirect.scatter [tilespmem:s7], [sflag:$0x3], $0x10, s5, s8, $0xb8;
	[tilespmem:$0x1B5D0] =	vst v63  }
0x35: {  	_ =	swait.ge [sflag:s0], $0x500  }
0x36: {  	[sflag:s0] =	ssyncset.done $0x0  }
0x37: {  	s29 =	rddreg [dreg:$0xc];
	[sflag:s0] =	ssyncadd.s32 $0xFFFFFB00  }
0x38: {  	[tilespmem:s5], [sflag:$0x3] =	stream.linear.gather [hbm4b:s29+s5], $0x50, $0x38;
	[tilespmem:$0x1B5D0] =	vst v63  }
0x39: {  	_ =	swait.ge [sflag:s0], $0x50  }
0x3a: {  	[sflag:s0] =	ssyncset.done $0x0  }
0x3b: {  	[sflag:s0] =	ssyncadd.s32 $0xFFFFFFB0  }
0x3c: {  	[spmem:s3] =	stream.indirect.scatter [tilespmem:s31], [sflag:$0x3], $0x80, s5, s8, $0xb8;
	[tilespmem:$0x1B5D0] =	vst v63  }
0x3d: {  	_ =	swait.ge [sflag:s0], $0x2800  }
0x3e: {  	[sflag:s0] =	ssyncset.done $0x0  }
0x3f: {  	[sflag:s0] =	ssyncadd.s32 $0xFFFFD800  }
0x40: {  	[spmem:s4] =	stream.indirect.scatter [tilespmem:s7], [sflag:$0x3], $0x10, s5, s8, $0xb8;
	[tilespmem:$0x1B5D0] =	vst v63  }
0x41: {  	_ =	swait.ge [sflag:s0], $0x500  }
0x42: {  	[sflag:s0] =	ssyncset.done $0x0  }
0x43: {  	s20 =	rddreg [dreg:$0xe];
	[sflag:s0] =	ssyncadd.s32 $0xFFFFFB00  }
0x44: {  	[tilespmem:s5], [sflag:$0x3] =	stream.linear.gather [hbm4b:s20+s5], $0x50, $0x38;
	[tilespmem:$0x1B5D0] =	vst v63  }
0x45: {  	_ =	swait.ge [sflag:s0], $0x50  }
0x46: {  	[sflag:s0] =	ssyncset.done $0x0  }
0x47: {  	[sflag:s0] =	ssyncadd.s32 $0xFFFFFFB0  }
0x48: {  	[spmem:s3] =	stream.indirect.scatter [tilespmem:s31], [sflag:$0x3], $0x80, s5, s8, $0xb8;
	[tilespmem:$0x1B5D0] =	vst v63  }
0x49: {  	_ =	swait.ge [sflag:s0], $0x2800  }
0x4a: {  	[sflag:s0] =	ssyncset.done $0x0  }
0x4b: {  	[sflag:s0] =	ssyncadd.s32 $0xFFFFD800  }
0x4c: {  	[spmem:s4] =	stream.indirect.scatter [tilespmem:s7], [sflag:$0x3], $0x10, s5, s8, $0xb8;
	[tilespmem:$0x1B5D0] =	vst v63  }
0x4d: {  	_ =	swait.ge [sflag:s0], $0x500  }
0x4e: {  	[sflag:s0] =	ssyncset.done $0x0  }
0x4f: {  	s21 =	rddreg [dreg:$0x10];
	[sflag:s0] =	ssyncadd.s32 $0xFFFFFB00  }
0x50: {  	[tilespmem:s5], [sflag:$0x3] =	stream.linear.gather [hbm4b:s21+s5], $0x50, $0x38;
	[tilespmem:$0x1B5D0] =	vst v63  }
0x51: {  	_ =	swait.ge [sflag:s0], $0x50  }
0x52: {  	[sflag:s0] =	ssyncset.done $0x0  }
0x53: {  	[sflag:s0] =	ssyncadd.s32 $0xFFFFFFB0  }
0x54: {  	[spmem:s3] =	stream.indirect.scatter [tilespmem:s31], [sflag:$0x3], $0x80, s5, s8, $0xb8;
	[tilespmem:$0x1B5D0] =	vst v63  }
0x55: {  	_ =	swait.ge [sflag:s0], $0x2800  }
0x56: {  	[sflag:s0] =	ssyncset.done $0x0  }
0x57: {  	[sflag:s0] =	ssyncadd.s32 $0xFFFFD800  }
0x58: {  	[spmem:s4] =	stream.indirect.scatter [tilespmem:s7], [sflag:$0x3], $0x10, s5, s8, $0xb8;
	[tilespmem:$0x1B5D0] =	vst v63  }
0x59: {  	_ =	swait.ge [sflag:s0], $0x500  }
0x5a: {  	[sflag:s0] =	ssyncset.done $0x0  }
0x5b: {  	s26 =	rddreg [dreg:$0x11];
	[sflag:s0] =	ssyncadd.s32 $0xFFFFFB00  }
0x5c: {  	[tilespmem:s5], [sflag:$0x3] =	stream.linear.gather [hbm4b:s26+s5], $0x50, $0x38;
	[tilespmem:$0x1B5D0] =	vst v63  }
0x5d: {  	_ =	swait.ge [sflag:s0], $0x50  }
0x5e: {  	[sflag:s0] =	ssyncset.done $0x0  }
0x5f: {  	[sflag:s0] =	ssyncadd.s32 $0xFFFFFFB0  }
0x60: {  	[spmem:s3] =	stream.indirect.scatter [tilespmem:s31], [sflag:$0x3], $0x80, s5, s8, $0xb8;
	[tilespmem:$0x1B5D0] =	vst v63  }
0x61: {  	_ =	swait.ge [sflag:s0], $0x2800  }
0x62: {  	[sflag:s0] =	ssyncset.done $0x0  }
0x63: {  	[sflag:s0] =	ssyncadd.s32 $0xFFFFD800  }
0x64: {  	[spmem:s4] =	stream.indirect.scatter [tilespmem:s7], [sflag:$0x3], $0x10, s5, s8, $0xb8;
	[tilespmem:$0x1B5D0] =	vst v63  }
0x65: {  	_ =	swait.ge [sflag:s0], $0x500  }
0x66: {  	[sflag:s0] =	ssyncset.done $0x0  }
0x67: {  	s28 =	rddreg [dreg:$0x12];
	[sflag:s0] =	ssyncadd.s32 $0xFFFFFB00  }
0x68: {  	[tilespmem:s5], [sflag:$0x3] =	stream.linear.gather [hbm4b:s28+s5], $0x50, $0x38;
	[tilespmem:$0x1B5D0] =	vst v63  }
0x69: {  	_ =	swait.ge [sflag:s0], $0x50  }
0x6a: {  	[sflag:s0] =	ssyncset.done $0x0  }
0x6b: {  	[sflag:s0] =	ssyncadd.s32 $0xFFFFFFB0  }
0x6c: {  	[spmem:s3] =	stream.indirect.scatter [tilespmem:s31], [sflag:$0x3], $0x80, s5, s8, $0xb8;
	[tilespmem:$0x1B5D0] =	vst v63  }
0x6d: {  	_ =	swait.ge [sflag:s0], $0x2800  }
0x6e: {  	[sflag:s0] =	ssyncset.done $0x0  }
0x6f: {  	[sflag:s0] =	ssyncadd.s32 $0xFFFFD800  }
0x70: {  	[spmem:s4] =	stream.indirect.scatter [tilespmem:s7], [sflag:$0x3], $0x10, s5, s8, $0xb8;
	[tilespmem:$0x1B5D0] =	vst v63  }
0x71: {  	_ =	swait.ge [sflag:s0], $0x500  }
0x72: {  	[sflag:s0] =	ssyncset.done $0x0  }
0x73: {  	[sflag:s0] =	ssyncadd.s32 $0xFFFFFB00  }
0x74: {  	[tilespmem:s5], [sflag:$0x3] =	stream.linear.gather [hbm4b:s30+s5], $0x50, $0x38;
	[tilespmem:$0x1B5D0] =	vst v63  }
0x75: {  	_ =	swait.ge [sflag:s0], $0x50  }
0x76: {  	[sflag:s0] =	ssyncset.done $0x0  }
0x77: {  	[sflag:s0] =	ssyncadd.s32 $0xFFFFFFB0  }
0x78: {  	[spmem:s3] =	stream.indirect.scatter [tilespmem:s31], [sflag:$0x3], $0x80, s5, s8, $0xb8;
	[tilespmem:$0x1B5D0] =	vst v63  }
0x79: {  	_ =	swait.ge [sflag:s0], $0x2800  }
0x7a: {  	[sflag:s0] =	ssyncset.done $0x0  }
0x7b: {  	[sflag:s0] =	ssyncadd.s32 $0xFFFFD800  }
0x7c: {  	[spmem:s4] =	stream.indirect.scatter [tilespmem:s7], [sflag:$0x3], $0x10, s5, s8, $0xb8;
	[tilespmem:$0x1B5D0] =	vst v63  }
0x7d: {  	_ =	swait.ge [sflag:s0], $0x500  }
0x7e: {  	[sflag:s0] =	ssyncset.done $0x0  }
0x7f: {  	[sflag:s0] =	ssyncadd.s32 $0xFFFFFB00  }
0x80: {  	[tilespmem:s5], [sflag:$0x3] =	stream.linear.gather [hbm4b:s16+s5], $0x50, $0x38;
	[tilespmem:$0x1B5D0] =	vst v63  }
0x81: {  	_ =	swait.ge [sflag:s0], $0x50  }
0x82: {  	[sflag:s0] =	ssyncset.done $0x0  }
0x83: {  	[sflag:s0] =	ssyncadd.s32 $0xFFFFFFB0  }
0x84: {  	[spmem:s3] =	stream.indirect.scatter [tilespmem:s31], [sflag:$0x3], $0x80, s5, s8, $0xb8;
	[tilespmem:$0x1B5D0] =	vst v63  }
0x85: {  	_ =	swait.ge [sflag:s0], $0x2800  }
0x86: {  	[sflag:s0] =	ssyncset.done $0x0  }
0x87: {  	[sflag:s0] =	ssyncadd.s32 $0xFFFFD800  }
0x88: {  	[spmem:s4] =	stream.indirect.scatter [tilespmem:s7], [sflag:$0x3], $0x10, s5, s8, $0xb8;
	[tilespmem:$0x1B5D0] =	vst v63  }
0x89: {  	_ =	swait.ge [sflag:s0], $0x500  }
0x8a: {  	[sflag:s0] =	ssyncset.done $0x0  }
0x8b: {  	s29 =	rddreg [dreg:$0x8];
	[sflag:s0] =	ssyncadd.s32 $0xFFFFFB00  }
0x8c: {  	[tilespmem:s7], [sflag:$0x3] =	stream.linear.gather [hbm4b:s29+s5], $0x500, $0x38;
	[tilespmem:$0x1B5D0] =	vst v63  }
0x8d: {  	_ =	swait.ge [sflag:s0], $0x500  }
0x8e: {  	[sflag:s0] =	ssyncset.done $0x0  }
0x8f: {  	[sflag:s0] =	ssyncadd.s32 $0xFFFFFB00  }
0x90: {  	[bflag:$0x0] =	sbarrier.arrive $0xFFFF  }
0x91: {  	s20 =	rddreg [dreg:$0x9]  }
0x92: {  	[tilespmem:s5], [sflag:$0x3] =	stream.linear.gather [hbm4b:s20+s5], $0x50, $0x38;
	[tilespmem:$0x1B5D0] =	vst v63  }
0x93: {  	_ =	swait.ge [sflag:s0], $0x50  }
0x94: {  	[sflag:s0] =	ssyncset.done $0x0  }
0x95: {  	s21 =	rddreg [dreg:$0xa];
	[sflag:s0] =	ssyncadd.s32 $0xFFFFFFB0  }
0x96: {  	[tilespmem:s8], [sflag:$0x3] =	stream.linear.gather [hbm4b:s21+s5], $0x50, $0x38;
	[tilespmem:$0x1B5D0] =	vst v63  }
0x97: {  	_ =	swait.ge [sflag:s0], $0x50  }
0x98: {  	[sflag:s0] =	ssyncset.done $0x0  }
0x99: {  	[sflag:s0] =	ssyncadd.s32 $0xFFFFFFB0  }
0x9a: {  	[tilespmem:s31], [sflag:$0x1] =	stream.indirect.gather [hbm4b:s1+s8], $0x80, s5, s8, $0xb8;
	[tilespmem:$0x1B5D0] =	vst v63  }
0x9b: {  	s26 =	sadd.s32 $0x0, s25  }
0x9c: {  	[tilespmem:s9], [sflag:$0x3] =	stream.linear.gather [hbm4b:s26+s5], $0x50, $0x38;
	[tilespmem:$0x1B5D0] =	vst v63  }
0x9d: {  	_ =	swait.ge [sflag:s0], $0x50  }
0x9e: {  	[sflag:s0] =	ssyncset.done $0x0  }
0x9f: {  	s28 =	sadd.s32 $0x0, s24;
	[sflag:s0] =	ssyncadd.s32 $0xFFFFFFB0  }
0xa0: {  	[tilespmem:s10], [sflag:$0x3] =	stream.linear.gather [hbm4b:s28+s5], $0x50, $0x38;
	[tilespmem:$0x1B5D0] =	vst v63  }
0xa1: {  	_ =	swait.ge [sflag:s0], $0x50  }
0xa2: {  	[sflag:s0] =	ssyncset.done $0x0  }
0xa3: {  	[sflag:s0] =	ssyncadd.s32 $0xFFFFFFB0  }
0xa4: {  	[tilespmem:s11], [sflag:$0x2] =	stream.indirect.gather [hbm4b:s1+s8], $0x80, s9, s8, $0xb8;
	[tilespmem:$0x1B5D0] =	vst v63  }
0xa5: {  	_ =	swait.ge [sflag:s12], $0x2800  }
0xa6: {  	[sflag:s12] =	ssyncset.done $0x0  }
0xa7: {  	[sflag:s12] =	ssyncadd.s32 $0xFFFFD800  }
0xa8: {  	[spmem:s3] =	stream.indirect.scatter.add.f32 [tilespmem:s31], [sflag:$0x3], $0x80, s8, s8, $0xb8;
	[tilespmem:$0x1B5D0] =	vst v63  }
0xa9: {  	_ =	swait.ge [sflag:s0], $0x2800  }
0xaa: {  	[sflag:s0] =	ssyncset.done $0x0  }
0xab: {  	[sflag:s0] =	ssyncadd.s32 $0xFFFFD800  }
0xac: {  	[spmem:s4] =	stream.indirect.scatter.add.f32 [tilespmem:s7], [sflag:$0x3], $0x10, s8, s8, $0xb8;
	[tilespmem:$0x1B5D0] =	vst v63  }
0xad: {  	_ =	swait.ge [sflag:s0], $0x500  }
0xae: {  	s29 =	sshrl.u32 s22, $0x3;
	[sflag:s0] =	ssyncset.done $0x0  }
0xaf: {  	s20 =	sadd.s32 s6, s29;
	[sflag:s0] =	ssyncadd.s32 $0xFFFFFB00  }
0xb0: {  	[tilespmem:s5], [sflag:$0x3] =	stream.linear.gather [hbm4b:s20+s5], $0x50, $0x38;
	[tilespmem:$0x1B5D0] =	vst v63  }
0xb1: {  	_ =	swait.ge [sflag:s0], $0x50  }
0xb2: {  	[sflag:s0] =	ssyncset.done $0x0  }
0xb3: {  	s17 =	sadd.s32 s2, s29;
	[sflag:s0] =	ssyncadd.s32 $0xFFFFFFB0  }
0xb4: {  	[tilespmem:s8], [sflag:$0x3] =	stream.linear.gather [hbm4b:s17+s5], $0x50, $0x38;
	[tilespmem:$0x1B5D0] =	vst v63  }
0xb5: {  	_ =	swait.ge [sflag:s0], $0x50  }
0xb6: {  	[sflag:s0] =	ssyncset.done $0x0  }
0xb7: {  	[sflag:s0] =	ssyncadd.s32 $0xFFFFFFB0  }
0xb8: {  	[tilespmem:s31], [sflag:$0x1] =	stream.indirect.gather [hbm4b:s1+s8], $0x80, s5, s8, $0xb8;
	[tilespmem:$0x1B5D0] =	vst v63  }
0xb9: {  	_ =	swait.ge [sflag:s13], $0x2800  }
0xba: {  	[sflag:s13] =	ssyncset.done $0x0  }
0xbb: {  	[sflag:s13] =	ssyncadd.s32 $0xFFFFD800  }
0xbc: {  	[spmem:s3] =	stream.indirect.scatter.add.f32 [tilespmem:s11], [sflag:$0x3], $0x80, s10, s8, $0xb8;
	[tilespmem:$0x1B5D0] =	vst v63  }
0xbd: {  	_ =	swait.ge [sflag:s0], $0x2800  }
0xbe: {  	[sflag:s0] =	ssyncset.done $0x0  }
0xbf: {  	[sflag:s0] =	ssyncadd.s32 $0xFFFFD800  }
0xc0: {  	[spmem:s4] =	stream.indirect.scatter.add.f32 [tilespmem:s7], [sflag:$0x3], $0x10, s10, s8, $0xb8;
	[tilespmem:$0x1B5D0] =	vst v63  }
0xc1: {  	s26 =	simm.s32 $0x28;
	_ =	swait.ge [sflag:s0], $0x500  }
0xc2: {  	s20 =	simm.s32 $0x14;
	s17 =	sadd.s32 $0xA0, s22;
	[sflag:s0] =	ssyncset.done $0x0  }
.LBB2_2:
0xc3: {  	s28 =	sadd.s32 s20, s25  }
0xc4: {  	[sflag:s0] =	ssyncadd.s32 $0xFFFFFB00;
	s29 =	smov.u32 s26;
	s21 =	sadd.s32 $0x14, s26  }
0xc5: {  	[tilespmem:s9], [sflag:$0x3] =	stream.linear.gather [hbm4b:s28+s5], $0x50, $0x38;
	[tilespmem:$0x1B5D0] =	vst v63  }
0xc6: {  	p0 =	sne.s32 s26, $0x4C4;
	_ =	swait.ge [sflag:s0], $0x50  }
0xc7: {  	[sflag:s0] =	ssyncset.done $0x0  }
0xc8: {  	s26 =	sadd.s32 s20, s24;
	s20 =	smov.u32 s29;
	[sflag:s0] =	ssyncadd.s32 $0xFFFFFFB0  }
0xc9: {  	[tilespmem:s10], [sflag:$0x3] =	stream.linear.gather [hbm4b:s26+s5], $0x50, $0x38;
	[tilespmem:$0x1B5D0] =	vst v63  }
0xca: {  	_ =	swait.ge [sflag:s0], $0x50  }
0xcb: {  	[sflag:s0] =	ssyncset.done $0x0  }
0xcc: {  	[sflag:s0] =	ssyncadd.s32 $0xFFFFFFB0  }
0xcd: {  	[tilespmem:s11], [sflag:$0x2] =	stream.indirect.gather [hbm4b:s1+s8], $0x80, s9, s8, $0xb8;
	[tilespmem:$0x1B5D0] =	vst v63  }
0xce: {  	_ =	swait.ge [sflag:s12], $0x2800  }
0xcf: {  	[sflag:s12] =	ssyncset.done $0x0  }
0xd0: {  	[sflag:s12] =	ssyncadd.s32 $0xFFFFD800  }
0xd1: {  	[spmem:s3] =	stream.indirect.scatter.add.f32 [tilespmem:s31], [sflag:$0x3], $0x80, s8, s8, $0xb8;
	[tilespmem:$0x1B5D0] =	vst v63  }
0xd2: {  	_ =	swait.ge [sflag:s0], $0x2800  }
0xd3: {  	[sflag:s0] =	ssyncset.done $0x0  }
0xd4: {  	[sflag:s0] =	ssyncadd.s32 $0xFFFFD800  }
0xd5: {  	[spmem:s4] =	stream.indirect.scatter.add.f32 [tilespmem:s7], [sflag:$0x3], $0x10, s8, s8, $0xb8;
	[tilespmem:$0x1B5D0] =	vst v63  }
0xd6: {  	_ =	swait.ge [sflag:s0], $0x500  }
0xd7: {  	s26 =	sshrl.u32 s17, $0x3;
	[sflag:s0] =	ssyncset.done $0x0  }
0xd8: {  	s28 =	sadd.s32 s6, s26;
	[sflag:s0] =	ssyncadd.s32 $0xFFFFFB00  }
0xd9: {  	[tilespmem:s5], [sflag:$0x3] =	stream.linear.gather [hbm4b:s28+s5], $0x50, $0x38;
	[tilespmem:$0x1B5D0] =	vst v63  }
0xda: {  	_ =	swait.ge [sflag:s0], $0x50  }
0xdb: {  	[sflag:s0] =	ssyncset.done $0x0  }
0xdc: {  	s26 =	sadd.s32 s2, s26;
	[sflag:s0] =	ssyncadd.s32 $0xFFFFFFB0  }
0xdd: {  	[tilespmem:s8], [sflag:$0x3] =	stream.linear.gather [hbm4b:s26+s5], $0x50, $0x38;
	[tilespmem:$0x1B5D0] =	vst v63  }
0xde: {  	_ =	swait.ge [sflag:s0], $0x50  }
0xdf: {  	[sflag:s0] =	ssyncset.done $0x0  }
0xe0: {  	[sflag:s0] =	ssyncadd.s32 $0xFFFFFFB0  }
0xe1: {  	[tilespmem:s31], [sflag:$0x1] =	stream.indirect.gather [hbm4b:s1+s8], $0x80, s5, s8, $0xb8;
	[tilespmem:$0x1B5D0] =	vst v63  }
0xe2: {  	_ =	swait.ge [sflag:s13], $0x2800  }
0xe3: {  	[sflag:s13] =	ssyncset.done $0x0  }
0xe4: {  	[sflag:s13] =	ssyncadd.s32 $0xFFFFD800  }
0xe5: {  	[spmem:s3] =	stream.indirect.scatter.add.f32 [tilespmem:s11], [sflag:$0x3], $0x80, s10, s8, $0xb8;
	[tilespmem:$0x1B5D0] =	vst v63  }
0xe6: {  	_ =	swait.ge [sflag:s0], $0x2800  }
.Ltmp0:
0xe7: {  	[sflag:s0] =	ssyncset.done $0x0;
	(pc) =	sbr.rel @p0 .LBB2_2-.Ltmp0, $4  }
0xe8: {  	[sflag:s0] =	ssyncadd.s32 $0xFFFFD800  }
0xe9: {  	[spmem:s4] =	stream.indirect.scatter.add.f32 [tilespmem:s7], [sflag:$0x3], $0x10, s10, s8, $0xb8;
	[tilespmem:$0x1B5D0] =	vst v63  }
0xea: {  	_ =	swait.ge [sflag:s0], $0x500  }
0xeb: {  	s17 =	sadd.s32 $0xA0, s17;
	s26 =	smov.u32 s21;
	[sflag:s0] =	ssyncset.done $0x0  }
0xec: {  	s21 =	sadd.s32 s20, s25;
	[sflag:s0] =	ssyncadd.s32 $0xFFFFFB00  }
0xed: {  	[tilespmem:s9], [sflag:$0x3] =	stream.linear.gather [hbm4b:s21+s5], $0x50, $0x38;
	[tilespmem:$0x1B5D0] =	vst v63  }
0xee: {  	_ =	swait.ge [sflag:s0], $0x50  }
0xef: {  	[sflag:s0] =	ssyncset.done $0x0  }
0xf0: {  	s26 =	sadd.s32 s20, s24;
	[sflag:s0] =	ssyncadd.s32 $0xFFFFFFB0  }
0xf1: {  	[tilespmem:s10], [sflag:$0x3] =	stream.linear.gather [hbm4b:s26+s5], $0x50, $0x38;
	[tilespmem:$0x1B5D0] =	vst v63  }
0xf2: {  	_ =	swait.ge [sflag:s0], $0x50  }
0xf3: {  	[sflag:s0] =	ssyncset.done $0x0  }
0xf4: {  	[sflag:s0] =	ssyncadd.s32 $0xFFFFFFB0  }
0xf5: {  	[tilespmem:s11], [sflag:$0x2] =	stream.indirect.gather [hbm4b:s1+s8], $0x80, s9, s8, $0xb8;
	[tilespmem:$0x1B5D0] =	vst v63  }
0xf6: {  	_ =	swait.ge [sflag:s12], $0x2800  }
0xf7: {  	[sflag:s12] =	ssyncset.done $0x0  }
0xf8: {  	[sflag:s12] =	ssyncadd.s32 $0xFFFFD800  }
0xf9: {  	[spmem:s3] =	stream.indirect.scatter.add.f32 [tilespmem:s31], [sflag:$0x3], $0x80, s8, s8, $0xb8;
	[tilespmem:$0x1B5D0] =	vst v63  }
0xfa: {  	_ =	swait.ge [sflag:s0], $0x2800  }
0xfb: {  	[sflag:s0] =	ssyncset.done $0x0  }
0xfc: {  	[sflag:s0] =	ssyncadd.s32 $0xFFFFD800  }
0xfd: {  	[spmem:s4] =	stream.indirect.scatter.add.f32 [tilespmem:s7], [sflag:$0x3], $0x10, s8, s8, $0xb8;
	[tilespmem:$0x1B5D0] =	vst v63  }
0xfe: {  	_ =	swait.ge [sflag:s0], $0x500  }
0xff: {  	s17 =	sshrl.u32 s17, $0x3;
	[sflag:s0] =	ssyncset.done $0x0  }
0x100: {  	s28 =	sadd.s32 s6, s17;
	[sflag:s0] =	ssyncadd.s32 $0xFFFFFB00  }
0x101: {  	[tilespmem:s5], [sflag:$0x3] =	stream.linear.gather [hbm4b:s28+s5], $0x50, $0x38;
	[tilespmem:$0x1B5D0] =	vst v63  }
0x102: {  	_ =	swait.ge [sflag:s0], $0x50  }
0x103: {  	[sflag:s0] =	ssyncset.done $0x0  }
0x104: {  	s17 =	sadd.s32 s2, s17;
	[sflag:s0] =	ssyncadd.s32 $0xFFFFFFB0  }
0x105: {  	[tilespmem:s8], [sflag:$0x3] =	stream.linear.gather [hbm4b:s17+s5], $0x50, $0x38;
	[tilespmem:$0x1B5D0] =	vst v63  }
0x106: {  	_ =	swait.ge [sflag:s0], $0x50  }
0x107: {  	[sflag:s0] =	ssyncset.done $0x0  }
0x108: {  	[sflag:s0] =	ssyncadd.s32 $0xFFFFFFB0  }
0x109: {  	[tilespmem:s31], [sflag:$0x1] =	stream.indirect.gather [hbm4b:s1+s8], $0x80, s5, s8, $0xb8;
	[tilespmem:$0x1B5D0] =	vst v63  }
0x10a: {  	_ =	swait.ge [sflag:s13], $0x2800  }
0x10b: {  	[sflag:s13] =	ssyncset.done $0x0  }
0x10c: {  	[sflag:s13] =	ssyncadd.s32 $0xFFFFD800  }
0x10d: {  	[spmem:s3] =	stream.indirect.scatter.add.f32 [tilespmem:s11], [sflag:$0x3], $0x80, s10, s8, $0xb8;
	[tilespmem:$0x1B5D0] =	vst v63  }
0x10e: {  	_ =	swait.ge [sflag:s0], $0x2800  }
0x10f: {  	[sflag:s0] =	ssyncset.done $0x0  }
0x110: {  	[sflag:s0] =	ssyncadd.s32 $0xFFFFD800  }
0x111: {  	[spmem:s4] =	stream.indirect.scatter.add.f32 [tilespmem:s7], [sflag:$0x3], $0x10, s10, s8, $0xb8;
	[tilespmem:$0x1B5D0] =	vst v63  }
0x112: {  	_ =	swait.ge [sflag:s0], $0x500  }
0x113: {  	[sflag:s0] =	ssyncset.done $0x0  }
0x114: {  	[sflag:s0] =	ssyncadd.s32 $0xFFFFFB00  }
0x115: {  	_ =	swait.ge [sflag:s12], $0x2800  }
0x116: {  	[sflag:s12] =	ssyncset.done $0x0  }
0x117: {  	[sflag:s12] =	ssyncadd.s32 $0xFFFFD800  }
0x118: {  	[spmem:s3] =	stream.indirect.scatter.add.f32 [tilespmem:s31], [sflag:$0x3], $0x80, s8, s8, $0xb8;
	[tilespmem:$0x1B5D0] =	vst v63  }
0x119: {  	_ =	swait.ge [sflag:s0], $0x2800  }
0x11a: {  	[sflag:s0] =	ssyncset.done $0x0  }
0x11b: {  	[sflag:s0] =	ssyncadd.s32 $0xFFFFD800  }
0x11c: {  	[spmem:s4] =	stream.indirect.scatter.add.f32 [tilespmem:s7], [sflag:$0x3], $0x10, s8, s8, $0xb8;
	[tilespmem:$0x1B5D0] =	vst v63  }
0x11d: {  	_ =	swait.ge [sflag:s0], $0x500  }
0x11e: {  	[sflag:s0] =	ssyncset.done $0x0  }
0x11f: {  	[sflag:s0] =	ssyncadd.s32 $0xFFFFFB00  }
0x120: {  	s29 =	sadd.s32 $0x0, s18;
	[bflag:$0x0] =	sbarrier.arrive $0xFFFF  }
0x121: {  	[tilespmem:s5], [sflag:$0x3] =	stream.linear.gather [hbm4b:s29+s5], $0x50, $0x38;
	[tilespmem:$0x1B5D0] =	vst v63  }
0x122: {  	_ =	swait.ge [sflag:s0], $0x50  }
0x123: {  	[sflag:s0] =	ssyncset.done $0x0  }
0x124: {  	[sflag:s0] =	ssyncadd.s32 $0xFFFFFFB0  }
0x125: {  	[tilespmem:s31], [sflag:$0x1] =	stream.indirect.gather [spmem:s3], $0x80, s5, s8, $0xb8;
	[tilespmem:$0x1B5D0] =	vst v63  }
0x126: {  	_ =	swait.ge [sflag:s12], $0x2800  }
0x127: {  	[sflag:s12] =	ssyncset.done $0x0  }
0x128: {  	[sflag:s12] =	ssyncadd.s32 $0xFFFFD800  }
0x129: {  	[hbm4b:s19+s5] =	stream.linear.scatter [tilespmem:s31], [sflag:$0x3], $0x2800, $0x38;
	[tilespmem:$0x1B5D0] =	vst v63  }
0x12a: {  	_ =	swait.ge [sflag:s0], $0x2800  }
0x12b: {  	[sflag:s0] =	ssyncset.done $0x0  }
0x12c: {  	[sflag:s0] =	ssyncadd.s32 $0xFFFFD800  }
0x12d: {  	[tilespmem:s7], [sflag:$0x1] =	stream.indirect.gather [spmem:s4], $0x10, s5, s8, $0xb8;
	[tilespmem:$0x1B5D0] =	vst v63  }
0x12e: {  	_ =	swait.ge [sflag:s12], $0x500  }
0x12f: {  	[sflag:s12] =	ssyncset.done $0x0  }
0x130: {  	[sflag:s12] =	ssyncadd.s32 $0xFFFFFB00  }
0x131: {  	[hbm4b:s23+s5] =	stream.linear.scatter [tilespmem:s7], [sflag:$0x3], $0x500, $0x38;
	[tilespmem:$0x1B5D0] =	vst v63  }
0x132: {  	s20 =	sadd.s32 $0x500, s19;
	s21 =	simm.s32 $0xA;
	_ =	swait.ge [sflag:s0], $0x500  }
0x133: {  	s26 =	simm.s32 $0x14;
	s17 =	sadd.s32 $0xA0, s23;
	[sflag:s0] =	ssyncset.done $0x0  }
.LBB2_4:
0x134: {  	s28 =	sadd.s32 s21, s18  }
0x135: {  	[sflag:s0] =	ssyncadd.s32 $0xFFFFFB00;
	s21 =	smov.u32 s26;
	s29 =	sadd.s32 $0xA, s26  }
0x136: {  	[tilespmem:s5], [sflag:$0x3] =	stream.linear.gather [hbm4b:s28+s5], $0x50, $0x38;
	[tilespmem:$0x1B5D0] =	vst v63  }
0x137: {  	p0 =	sne.s32 s26, $0x3C;
	_ =	swait.ge [sflag:s0], $0x50  }
0x138: {  	[sflag:s0] =	ssyncset.done $0x0  }
0x139: {  	[sflag:s0] =	ssyncadd.s32 $0xFFFFFFB0  }
0x13a: {  	[tilespmem:s31], [sflag:$0x1] =	stream.indirect.gather [spmem:s3], $0x80, s5, s8, $0xb8;
	[tilespmem:$0x1B5D0] =	vst v63  }
0x13b: {  	_ =	swait.ge [sflag:s12], $0x2800  }
0x13c: {  	[sflag:s12] =	ssyncset.done $0x0  }
0x13d: {  	[sflag:s12] =	ssyncadd.s32 $0xFFFFD800  }
0x13e: {  	[hbm4b:s20+s5] =	stream.linear.scatter [tilespmem:s31], [sflag:$0x3], $0x2800, $0x38;
	[tilespmem:$0x1B5D0] =	vst v63  }
0x13f: {  	_ =	swait.ge [sflag:s0], $0x2800  }
0x140: {  	[sflag:s0] =	ssyncset.done $0x0  }
0x141: {  	[sflag:s0] =	ssyncadd.s32 $0xFFFFD800  }
0x142: {  	[tilespmem:s7], [sflag:$0x1] =	stream.indirect.gather [spmem:s4], $0x10, s5, s8, $0xb8;
	[tilespmem:$0x1B5D0] =	vst v63  }
0x143: {  	_ =	swait.ge [sflag:s12], $0x500  }
.Ltmp1:
0x144: {  	[sflag:s12] =	ssyncset.done $0x0;
	(pc) =	sbr.rel @p0 .LBB2_4-.Ltmp1, $4  }
0x145: {  	[sflag:s12] =	ssyncadd.s32 $0xFFFFFB00  }
0x146: {  	[hbm4b:s17+s5] =	stream.linear.scatter [tilespmem:s7], [sflag:$0x3], $0x500, $0x38;
	[tilespmem:$0x1B5D0] =	vst v63  }
0x147: {  	s26 =	smov.u32 s29;
	_ =	swait.ge [sflag:s0], $0x500  }
0x148: {  	s20 =	sadd.s32 $0x500, s20;
	s17 =	sadd.s32 $0xA0, s17;
	[sflag:s0] =	ssyncset.done $0x0  }
0x149: {  	s21 =	sadd.s32 s21, s18;
	[sflag:s0] =	ssyncadd.s32 $0xFFFFFB00  }
0x14a: {  	[tilespmem:s5], [sflag:$0x3] =	stream.linear.gather [hbm4b:s21+s5], $0x50, $0x38;
	[tilespmem:$0x1B5D0] =	vst v63  }
0x14b: {  	_ =	swait.ge [sflag:s0], $0x50  }
0x14c: {  	[sflag:s0] =	ssyncset.done $0x0  }
0x14d: {  	[sflag:s0] =	ssyncadd.s32 $0xFFFFFFB0  }
0x14e: {  	[tilespmem:s31], [sflag:$0x1] =	stream.indirect.gather [spmem:s3], $0x80, s5, s8, $0xb8;
	[tilespmem:$0x1B5D0] =	vst v63  }
0x14f: {  	_ =	swait.ge [sflag:s12], $0x2800  }
0x150: {  	[sflag:s12] =	ssyncset.done $0x0  }
0x151: {  	[sflag:s12] =	ssyncadd.s32 $0xFFFFD800  }
0x152: {  	[hbm4b:s20+s5] =	stream.linear.scatter [tilespmem:s31], [sflag:$0x3], $0x2800, $0x38;
	[tilespmem:$0x1B5D0] =	vst v63  }
0x153: {  	_ =	swait.ge [sflag:s0], $0x2800  }
0x154: {  	[sflag:s0] =	ssyncset.done $0x0  }
0x155: {  	[sflag:s0] =	ssyncadd.s32 $0xFFFFD800  }
0x156: {  	[tilespmem:s7], [sflag:$0x1] =	stream.indirect.gather [spmem:s4], $0x10, s5, s8, $0xb8;
	[tilespmem:$0x1B5D0] =	vst v63  }
0x157: {  	_ =	swait.ge [sflag:s12], $0x500  }
0x158: {  	[sflag:s12] =	ssyncset.done $0x0  }
0x159: {  	[sflag:s12] =	ssyncadd.s32 $0xFFFFFB00  }
0x15a: {  	[hbm4b:s17+s5] =	stream.linear.scatter [tilespmem:s7], [sflag:$0x3], $0x500, $0x38;
	[tilespmem:$0x1B5D0] =	vst v63  }
0x15b: {  	_ =	swait.ge [sflag:s0], $0x500  }
0x15c: {  	[sflag:s0] =	ssyncset.done $0x0  }
0x15d: {  	[sflag:s0] =	ssyncadd.s32 $0xFFFFFB00  }
0x15e: {  	[tilespmem:s5], [sflag:$0x3] =	stream.linear.gather [hbm4b:s16+s5], $0x50, $0x38;
	[tilespmem:$0x1B5D0] =	vst v63  }
0x15f: {  	_ =	swait.ge [sflag:s0], $0x50  }
0x160: {  	[sflag:s0] =	ssyncset.done $0x0  }
0x161: {  	[sflag:s0] =	ssyncadd.s32 $0xFFFFFFB0  }
0x162: {  	[tilespmem:s31], [sflag:$0x1] =	stream.indirect.gather [spmem:s3], $0x80, s5, s8, $0xb8;
	[tilespmem:$0x1B5D0] =	vst v63  }
0x163: {  	_ =	swait.ge [sflag:s12], $0x2800  }
0x164: {  	[sflag:s12] =	ssyncset.done $0x0  }
0x165: {  	s26 =	rddreg [dreg:$0xd];
	[sflag:s12] =	ssyncadd.s32 $0xFFFFD800  }
0x166: {  	[hbm4b:s26+s5] =	stream.linear.scatter [tilespmem:s31], [sflag:$0x3], $0x2800, $0x38;
	[tilespmem:$0x1B5D0] =	vst v63  }
0x167: {  	_ =	swait.ge [sflag:s0], $0x2800  }
0x168: {  	[sflag:s0] =	ssyncset.done $0x0  }
0x169: {  	[sflag:s0] =	ssyncadd.s32 $0xFFFFD800  }
0x16a: {  	[tilespmem:s7], [sflag:$0x1] =	stream.indirect.gather [spmem:s4], $0x10, s5, s8, $0xb8;
	[tilespmem:$0x1B5D0] =	vst v63  }
0x16b: {  	_ =	swait.ge [sflag:s12], $0x500  }
0x16c: {  	[sflag:s12] =	ssyncset.done $0x0  }
0x16d: {  	s28 =	rddreg [dreg:$0xf];
	[sflag:s12] =	ssyncadd.s32 $0xFFFFFB00  }
0x16e: {  	[hbm4b:s28+s5] =	stream.linear.scatter [tilespmem:s7], [sflag:$0x3], $0x500, $0x38;
	[tilespmem:$0x1B5D0] =	vst v63  }
0x16f: {  	_ =	swait.ge [sflag:s0], $0x500  }
0x170: {  	s15 =	sadd.s32 $0x1, s15;
	s29 =	rddreg [dreg:$0xb]  }
0x171: {  	p0 =	sne.s32 s15, s29  }
.Ltmp2:
0x172: {  	_ = 	snop;
	(pc) =	sbr.rel @p0 .LBB2_1-.Ltmp2, $3  }
0x173: {  	_ =	sdelay $0x1  }
0x174: {  	[sflag:s0] =	ssyncset.done $0x0  }
0x175: {  	[sflag:s0] =	ssyncadd.s32 $0xFFFFFB00  }
0x176: {  	_ =	sfence.sel $0x180000  }
0x177: {  	[bflag:$0x0] =	sbarrier.arrive $0xFFFF  }
0x178: {  	_ =	strace $0x90000047  }
0x179: {  	s0 =	stileid.u32;
	[bflag:$0x2] =	sbarrier.arrive $0xFFFF  }
0x17a: {  	p0 =	sne.s32 s0, $0x0;
	s0 =	rddreg [dreg:$0x5]  }
0x17b: {  	s0 =	sadd.s32 @!p0 $0x100000, s0  }
0x17c: {  	[sflag:s0] =	ssyncadd.tile.s32 @!p0 $0x1;
	_ =	shalt  }
.Lfunc_end2:
_tile_overlayer_lowered:
.L_overlay_start_2:
0x17d: {  	(tag) =	ssettag $0x2  }
0x17e: {  	s0 =	rddreg [dreg:$0x0];
	s2 =	stileid.u32  }
0x17f: {  	s1 =	rddreg [dreg:$0x1];
	p0 =	sne.s32 s2, $0x0  }
0x180: {  	s3 =	rddreg [dreg:$0x2];
	[bflag:$0x3] =	sbarrier.arrive $0xFFFF;
	s2 =	simm.s32 @!p0 $0x1C03  }
0x181: {  	[timem:s3], [sflag:s2] =	dma.local @!p0 [hbm:s0], s1  }
0x182: {  	s0 =	simm.s32 @!p0 $0x3  }
0x183: {  	_ =	swait.ge @!p0 [sflag:s0], s1  }
0x184: {  	s1 =	ssub.s32 @!p0 $0x0, s1;
	[sflag:s0] =	ssyncset.done @!p0 $0x0  }
0x185: {  	[sflag:s0] =	ssyncadd.s32 @!p0 s1  }
0x186: {  	[bflag:$0x3] =	sbarrier.arrive $0xFFFF  }
0x187: {  	_ =	shalt  }

// kernel: kernel.9.cloned.1.call-start
scs
__scs_entry_jumppad:
0x0: {  	(pc) =	sbr.rel $0x88, $3  }
0x1: {  	(tag) =	ssettag $0x0;
	lr =	simm.s32 $0x1  }
0x2: {  	[smem:$0x3F98] =	sst lr;
	_ =	strace $0xD0000000  }
0x3: {  	_ = 	snop  }
0x4: {  	_ = 	snop  }
0x5: {  	_ = 	snop  }
0x6: {  	_ = 	snop  }
0x7: {  	_ = 	snop  }
__scs_overlays_trampoline_lowered:
0x8: {  	[smem:$0x3FA7] =	sst s0  }
0x9: {  	[smem:$0x3FA8] =	sst s1  }
0xa: {  	[smem:$0x3FA9] =	sst s2  }
0xb: {  	[smem:$0x3FAA] =	sst s3  }
0xc: {  	[smem:$0x3FAB] =	sst s4  }
0xd: {  	[smem:$0x3FAC] =	sst s5  }
0xe: {  	[smem:$0x3FAD] =	sst s6  }
0xf: {  	[smem:$0x3FAE] =	sst s7  }
0x10: {  	[smem:$0x3FAF] =	sst s8  }
0x11: {  	[smem:$0x3FB0] =	sst s9;
	s0 =	simm.s32 @!p0 $0x0  }
0x12: {  	s1 =	sld [smem:$0x3F96];
	s0 =	simm.s32 @p0 $0x1  }
0x13: {  	[smem:$0x3FB1] =	sst s0;
	s0 =	simm.s32 @!p1 $0x0  }
0x14: {  	s2 =	sld [smem:$0x3F95];
	s0 =	simm.s32 @p1 $0x1  }
0x15: {  	[smem:$0x3FB2] =	sst s0;
	s0 =	simm.s32 @!p2 $0x0  }
0x16: {  	s3 =	sld [smem:$0x3FDB];
	s0 =	simm.s32 @p2 $0x1  }
0x17: {  	s4 =	simm.s32 $0x1BF5;
	[smem:$0x3FB4] =	sst s0  }
0x18: {  	s0 =	sld [smem:$0x3F97];
	_ =	swait.ge [sflag:s4], $0x0  }
0x19: {  	s7 =	sld [smem:$0x3F98]  }
0x1a: {  	s8 =	sadd.s32 $0xFFFFE003, lr  }
0x1b: {  	s9 =	sadd.s32 $0xFFFFFEF7, lr;
	s5 =	simm.s32 $0xFFFFFFFF;
	p2 =	slt.u32 s8, $0xFFFFF086  }
0x1c: {  	p1 =	slt.u32 s9, $0xF7A;
	s5 =	simm.s32 @!p2 $0x0  }
0x1d: {  	s5 =	simm.s32 @p1 $0x1;
	p0 =	seq.s32 s7, s2  }
0x1e: {  	s7 =	smul.u32 @!p0 $0xF7A, s2;
	p2 =	seq.s32 @!p0 s5, $0x0  }
0x1f: {  	s9 =	smul.u32 $0xF7A, s1;
	s8 =	simm.s32 @!p0 $0x1BF5;
	p2 =	por !p2, p0  }
0x20: {  	[sflag:s8] =	ssyncset.s32 @!p0 $0xFFFFF086;
	s6 =	sadd.s32 @!p0 s3, s7;
	s7 =	simm.s32 @!p0 $0x108  }
0x21: {  	s3 =	sadd.s32 s3, s9;
	s6 =	sadd.s32 @!p0 $0x88, s6;
	s7 =	simm.s32 @p2 $0x1082  }
0x22: {  	[simem:s7], [sflag:s8] =	dma.local @!p0 [hbm:s6], $0xF7A  }
0x23: {  	s9 =	sor.u32 $0xD0000000, s2;
	s6 =	simm.s32 $0x108;
	_ =	swait.ge @!p0 [sflag:s8], $0x0  }
0x24: {  	s3 =	sadd.s32 $0x88, s3;
	s6 =	simm.s32 @!p1 $0x1082;
	[sflag:s4] =	ssyncset.s32 $0xFFFFF086  }
0x25: {  	[simem:s6], [sflag:s4] =	dma.local [hbm:s3], $0xF7A  }
0x26: {  	[smem:$0x3F98] =	sst s1;
	(tag) =	ssettag s2;
	_ =	strace s9  }
0x27: {  	s1 =	sld [smem:$0x3FA8]  }
0x28: {  	s2 =	sld [smem:$0x3FA9]  }
0x29: {  	s4 =	sld [smem:$0x3FAB]  }
0x2a: {  	p0 =	seq.s32 s5, $0x0;
	s5 =	sld [smem:$0x3FAC]  }
0x2b: {  	s6 =	sld [smem:$0x3FAD]  }
0x2c: {  	s7 =	sld [smem:$0x3FAE]  }
0x2d: {  	s3 =	simm.s32 $0x108;
	s8 =	sld [smem:$0x3FAF]  }
0x2e: {  	s3 =	simm.s32 @!p0 $0x1082;
	s9 =	sld [smem:$0x3FB0]  }
0x2f: {  	lr =	sadd.s32 s0, s3;
	s0 =	sld [smem:$0x3FA7]  }
0x30: {  	s3 =	sld [smem:$0x3FAA]  }
0x31: {  	[smem:$0x3FB3] =	sst s10  }
0x32: {  	s10 =	sld [smem:$0x3FB1];
	_ =	sdelay $0x3  }
0x33: {  	p0 =	seq.s32 s10, $0x1;
	s10 =	sld [smem:$0x3FB3];
	_ =	sdelay $0x3  }
0x34: {  	[smem:$0x3FB3] =	sst s10  }
0x35: {  	s10 =	sld [smem:$0x3FB2];
	_ =	sdelay $0x3  }
0x36: {  	p1 =	seq.s32 s10, $0x1;
	s10 =	sld [smem:$0x3FB3];
	_ =	sdelay $0x3  }
0x37: {  	[smem:$0x3FB3] =	sst s10  }
0x38: {  	s10 =	sld [smem:$0x3FB4]  }
0x39: {  	_ = 	snop;
	(pc) =	sbr.ind lr, $3  }
0x3a: {  	_ = 	snop  }
0x3b: {  	_ = 	snop  }
0x3c: {  	p2 =	seq.s32 s10, $0x1;
	s10 =	sld [smem:$0x3FB3]  }
0x3d: {  	_ =	shalt  }
0x3e: {  	_ =	shalt  }
0x3f: {  	_ =	shalt  }
0x40: {  	_ =	shalt  }
0x41: {  	_ =	shalt  }
0x42: {  	_ =	shalt  }
0x43: {  	_ =	shalt  }
0x44: {  	_ =	shalt  }
0x45: {  	_ =	shalt  }
0x46: {  	_ =	shalt  }
0x47: {  	_ =	shalt  }
0x48: {  	_ =	shalt  }
0x49: {  	_ =	shalt  }
0x4a: {  	_ =	shalt  }
0x4b: {  	_ =	shalt  }
0x4c: {  	_ =	shalt  }
0x4d: {  	_ =	shalt  }
0x4e: {  	_ =	shalt  }
0x4f: {  	_ =	shalt  }
0x50: {  	_ =	shalt  }
0x51: {  	_ =	shalt  }
0x52: {  	_ =	shalt  }
0x53: {  	_ =	shalt  }
0x54: {  	_ =	shalt  }
0x55: {  	_ =	shalt  }
0x56: {  	_ =	shalt  }
0x57: {  	_ =	shalt  }
0x58: {  	_ =	shalt  }
0x59: {  	_ =	shalt  }
0x5a: {  	_ =	shalt  }
0x5b: {  	_ =	shalt  }
0x5c: {  	_ =	shalt  }
0x5d: {  	_ =	shalt  }
0x5e: {  	_ =	shalt  }
0x5f: {  	_ =	shalt  }
0x60: {  	_ =	shalt  }
0x61: {  	_ =	shalt  }
0x62: {  	_ =	shalt  }
0x63: {  	_ =	shalt  }
0x64: {  	_ =	shalt  }
0x65: {  	_ =	shalt  }
0x66: {  	_ =	shalt  }
0x67: {  	_ =	shalt  }
0x68: {  	_ =	shalt  }
0x69: {  	_ =	shalt  }
0x6a: {  	_ =	shalt  }
0x6b: {  	_ =	shalt  }
0x6c: {  	_ =	shalt  }
0x6d: {  	_ =	shalt  }
0x6e: {  	_ =	shalt  }
0x6f: {  	_ =	shalt  }
0x70: {  	_ =	shalt  }
0x71: {  	_ =	shalt  }
0x72: {  	_ =	shalt  }
0x73: {  	_ =	shalt  }
0x74: {  	_ =	shalt  }
0x75: {  	_ =	shalt  }
0x76: {  	_ =	shalt  }
0x77: {  	_ =	shalt  }
0x78: {  	_ =	shalt  }
0x79: {  	_ =	shalt  }
0x7a: {  	_ =	shalt  }
0x7b: {  	_ =	shalt  }
0x7c: {  	_ =	shalt  }
0x7d: {  	_ =	shalt  }
0x7e: {  	_ =	shalt  }
0x7f: {  	_ =	shalt  }
0x80: {  	_ =	shalt  }
0x81: {  	_ =	shalt  }
0x82: {  	_ =	shalt  }
0x83: {  	_ =	shalt  }
0x84: {  	_ =	shalt  }
0x85: {  	_ =	shalt  }
0x86: {  	_ =	shalt  }
0x87: {  	_ =	shalt  }
.Lfunc_end0:
.L_simem_size_0:
called_computation.1_lowered:
.L_overlay_start_0:
0x88: {  	s2 =	sld [smem:$0x3FD9]  }
0x89: {  	s3 =	sld [smem:$0x3FFE];
	_ =	sdelay $0x1  }
0x8a: {  	s1 =	srdreg.scid  }
0x8b: {  	s0 =	sand.u32 $0x1, s1  }
0x8c: {  	s17 =	sshll.u32 s0, $0xA;
	s2 =	sadd.s32 s3, s2  }
0x8d: {  	s2 =	sadd.s32 s2, s17  }
0x8e: {  	[smem:$0x3FBF] =	sst s2  }
0x8f: {  	_ = 	snop  }
0x90: {  	s2 =	sld [smem:$0x3FD0];
	(tm) =	ssettm $0x1  }
0x91: {  	s18 =	sld [smem:$0x3FFB];
	_ =	sdelay $0x3  }
0x92: {  	_ =	strace s18  }
0x93: {  	s3 =	sld [smem:$0x3FFC];
	_ =	sdelay $0x3  }
0x94: {  	_ =	strace s3  }
0x95: {  	s3 =	sld [smem:$0x3FFD];
	_ =	sdelay $0x3  }
0x96: {  	_ =	strace s3  }
0x97: {  	_ =	strace $0x8FFFFFFF  }
0x98: {  	s19 =	sld [smem:$0x3FDB];
	_ =	sdelay $0x1  }
0x99: {  	s4 =	simm.s32 $_scs_section_size  }
0x9a: {  	s5 =	simm.s32 $_size__tile_overlayer_lowered;
	s6 =	simm.s32 $_tile_overlayer_lowered  }
0x9b: {  	s22 =	simm.s32 $0x1BFF;
	s21 =	sshll.u32 s6, $0x1;
	s3 =	sadd.s32 s4, s19  }
0x9c: {  	s7 =	simm.s32 $0x0;
	s20 =	sshll.u32 s5, $0x1;
	s5 =	sadd.s32 s21, s3  }
0x9d: {  	[timem:s7], [sflag:s22] =	dma.local [hbm:s5], s20  }
0x9e: {  	_ =	swait.ge [sflag:s22], s20  }
0x9f: {  	s4 =	ssub.s32 $0x0, s20;
	[sflag:s22] =	ssyncset.done $0x0  }
0xa0: {  	[sflag:s22] =	ssyncadd.s32 s4;
	_ =	sdelay $0x1  }
0xa1: {  	s23 =	simm.s32 $0x1B8B  }
0xa2: {  	_ =	swait.ge [sflag:s23], $0x1  }
0xa3: {  	[sflag:s23] =	ssyncset.done $0x0  }
0xa4: {  	s25 =	simm.s32 $0x1B8E;
	s24 =	sld [smem:$0x3FFE];
	[sflag:s23] =	ssyncadd.s32 $0xFFFFFFFF  }
0xa5: {  	s26 =	simm.s32 $execute0_lowered;
	[smem:$0x3FD2] =	sst s25  }
0xa6: {  	s5 =	sshll.u32 s26, $0x1;
	_ =	strace $0x80000049;
	[dreg:$0x1] =	wrdreg $0xFFFFFFFF  }
0xa7: {  	s28 =	simm.s32 $_size_execute0_lowered;
	s3 =	sadd.s32 s3, s5;
	[dreg:$0x0] =	wrdreg $0x0  }
0xa8: {  	s5 =	sshll.u32 s28, $0x1;
	[dreg:$0x2] =	wrdreg s3  }
0xa9: {  	[dreg:$0x3] =	wrdreg s5  }
0xaa: {  	[dreg:$0x4] =	wrdreg $0xC0  }
0xab: {  	_ =	task [dreg:s7], $0x5FFFF  }
0xac: {  	[dreg:$0x1] =	wrdreg $0xFFFFFFFF  }
0xad: {  	[dreg:$0x0] =	wrdreg $0x60  }
0xae: {  	[dreg:$0x2] =	wrdreg s2  }
0xaf: {  	[dreg:$0x3] =	wrdreg s24  }
0xb0: {  	[dreg:$0x4] =	wrdreg $0x56400  }
0xb1: {  	[dreg:$0x5] =	wrdreg $0x18EC00  }
0xb2: {  	[dreg:$0x6] =	wrdreg $0x9  }
0xb3: {  	_ =	task.clear_ibuf [dreg:s7], $0x7FFFF;
	_ =	strace $0x90000049  }
0xb4: {  	s29 =	simm.s32 $0x9;
	_ =	strace $0x8000004B  }
0xb5: {  	_ =	swait.ge [sflag:s29], $0x1  }
0xb6: {  	[sflag:s29] =	ssyncadd.s32 $0xFFFFFFFF  }
0xb7: {  	_ =	strace $0x9000004B  }
0xb8: {  	_ =	sfence  }
0xb9: {  	s30 =	sld [smem:$0x0];
	_ =	sdelay $0x2  }
0xba: {  	s31 =	sshll.u32 s1, $0xD;
	s1 =	sshrl.u32 s1, $0x2  }
0xbb: {  	s3 =	sand.u32 $0x4000, s31;
	s1 =	sadd.s32 s1, s30  }
0xbc: {  	s0 =	sor.u32 s3, s0;
	s1 =	sshll.u32 s1, $0x11  }
0xbd: {  	s0 =	sor.u32 s1, s0  }
0xbe: {  	s0 =	sadd.s32 $0x8F2B, s0  }
0xbf: {  	[sflag:s0] =	ssyncadd.remote.s32 $0x1  }
0xc0: {  	_ =	sfence.sel $0xFFFF  }
0xc1: {  	[dreg:$0x0] =	wrdreg $0xFFFFFFFF;
	(pc) =	sbr.abs _section_cstart, $3  }
0xc2: {  	[dreg:$0x1] =	wrdreg $0xFFFFFFFF  }
0xc3: {  	_ =	task.clear_ibuf [dreg:s7], $0x2FFFF;
	_ =	strace $0x9FFFFFFF  }
0xc4: {  	(tm) =	ssettm $0x7FFFFFFF  }
0xc5: {  	_ =	shalt  }
tec
execute0_lowered:
.L_overlay_start_1:
0x0: {  	(tag) =	ssettag $0x1  }
0x1: {  	s1 =	rddreg [dreg:$0x0]  }
0x2: {  	s0 =	rddreg [dreg:$0x1]  }
0x3: {  	s2 =	rddreg [dreg:$0x2]  }
0x4: {  	s3 =	rddreg [dreg:$0x3];
	s4 =	simm.s32 $0x0;
	s8 =	srdreg.scid  }
0x5: {  	s17 =	stileid.u32;
	s31 =	simm.s32 $0xA0;
	[smem:$0x7FF] =	sst s4  }
0x6: {  	s5 =	sadd.s32 $0x6F200, s0;
	s6 =	sadd.s32 $0x65400, s0;
	s7 =	sadd.s32 $0xC600, s0  }
0x7: {  	s9 =	sadd.s32 $0xCC00, s0;
	s20 =	sadd.s32 $0xD200, s0;
	s11 =	smul.u32 $0x50, s17  }
0x8: {  	s8 =	sand.u32 $0x1, s8;
	s21 =	sadd.s32 $0xC400, s0;
	s28 =	smul.u32 $0x11800, s17  }
0x9: {  	s12 =	sadd.s32 $0xD400, s0;
	s0 =	sadd.s32 $0x5B600, s0;
	s29 =	smul.u32 $0x46, s17  }
0xa: {  	_ =	strace $0x8000004A;
	[dreg:$0x5] =	wrdreg s9;
	s15 =	smul.u32 $0x138800, s8  }
0xb: {  	s22 =	sshll.u32 s8, $0x4;
	s10 =	ssub.s32 $0x2, s8;
	s8 =	smul.u32 $0x27100, s8  }
0xc: {  	[dreg:$0x6] =	wrdreg s20;
	s20 =	smul.u32 $0x2710, s17;
	s9 =	sor.u32 s17, s22  }
0xd: {  	p0 =	slt.u32 s17, $0xD;
	s13 =	sshrl.u32 s10, $0x1;
	s9 =	smul.u32 $0x2710, s9  }
0xe: {  	[dreg:$0x7] =	wrdreg s21;
	s10 =	ssub.s32 s10, s13;
	s13 =	smul.u32 $0x230, s17  }
0xf: {  	s21 =	smul.u32 $0x2300, s17;
	s11 =	sadd.s32 $0x2300, s11;
	s18 =	sadd.s32 s29, s7  }
0x10: {  	s24 =	smax.u32 s10, $0x1;
	s9 =	sshrl.u32 s9, $0x3;
	s23 =	sshrl.u32 s13, $0x3  }
0x11: {  	s13 =	smov.u32 @p0 s11;
	[dreg:$0xa] =	wrdreg s24;
	s11 =	sadd.s32 s28, s15  }
0x12: {  	s24 =	sadd.s32 s20, s8;
	s14 =	sadd.s32 s5, s9;
	s9 =	sadd.s32 s6, s9  }
0x13: {  	s25 =	sshll.u32 s13, $0x7;
	s26 =	sshrl.u32 s13, $0x3;
	[dreg:$0x8] =	wrdreg s14  }
0x14: {  	s10 =	sshrl.u32 s11, $0x3;
	s11 =	simm.s32 $0x2E40;
	[dreg:$0x9] =	wrdreg s9  }
0x15: {  	s14 =	sadd.s32 s7, s23;
	s9 =	sadd.s32 s15, s25;
	s15 =	sshll.u32 s13, $0x4  }
0x16: {  	s19 =	sadd.s32 s10, s12;
	s25 =	sadd.s32 $0x50, s24;
	s10 =	simm.s32 $0x2DF0  }
0x17: {  	s13 =	simm.s32 $0x2;
	s16 =	sadd.s32 $0xA, s14;
	s9 =	sshrl.u32 s9, $0x3  }
0x18: {  	s22 =	sadd.s32 $0x14, s14;
	s23 =	sadd.s32 s8, s15;
	s28 =	sadd.s32 $0x28, s14  }
0x19: {  	s29 =	sadd.s32 $0x32, s14;
	s30 =	sadd.s32 $0x3C, s14;
	[dreg:$0xb] =	wrdreg s16  }
0x1a: {  	s15 =	simm.s32 $0x0;
	s16 =	sadd.s32 s7, s26;
	[dreg:$0xd] =	wrdreg s22  }
0x1b: {  	s9 =	sadd.s32 s12, s9;
	s7 =	sadd.s32 s21, s8;
	[dreg:$0x10] =	wrdreg s28  }
0x1c: {  	s8 =	sshrl.u32 s25, $0x3;
	s22 =	sadd.s32 $0xA0, s24;
	[dreg:$0x11] =	wrdreg s29  }
0x1d: {  	s26 =	sadd.s32 $0x1E, s14;
	s12 =	simm.s32 $0x1;
	[dreg:$0xc] =	wrdreg s9  }
0x1e: {  	s9 =	sshrl.u32 s23, $0x3;
	s7 =	sshrl.u32 s7, $0x3;
	s24 =	sadd.s32 s8, s6  }
0x1f: {  	s25 =	sadd.s32 s8, s5;
	[dreg:$0xf] =	wrdreg s26;
	s8 =	simm.s32 $0x50  }
0x20: {  	s9 =	sadd.s32 s0, s9;
	s23 =	sadd.s32 s7, s0;
	s0 =	simm.s32 $0x3  }
0x21: {  	s7 =	simm.s32 $0x28A0;
	[dreg:$0xe] =	wrdreg s9;
	s9 =	simm.s32 $0x2DA0  }
.LBB2_1:
0x22: {  	s17 =	rddreg [dreg:$0x5]  }
0x23: {  	[tilespmem:s31], [sflag:$0x3] =	stream.linear.gather [hbm4b:s17+s4], $0x2800, $0x38;
	[tilespmem:$0x1B5D0] =	vst v63  }
0x24: {  	_ =	swait.ge [sflag:s0], $0x2800  }
0x25: {  	[sflag:s0] =	ssyncset.done $0x0  }
0x26: {  	s28 =	rddreg [dreg:$0x6];
	[sflag:s0] =	ssyncadd.s32 $0xFFFFD800  }
0x27: {  	[tilespmem:s7], [sflag:$0x3] =	stream.linear.gather [hbm4b:s28+s4], $0x500, $0x38;
	[tilespmem:$0x1B5D0] =	vst v63  }
0x28: {  	_ =	swait.ge [sflag:s0], $0x500  }
0x29: {  	[sflag:s0] =	ssyncset.done $0x0  }
0x2a: {  	[sflag:s0] =	ssyncadd.s32 $0xFFFFFB00  }
0x2b: {  	[tilespmem:s4], [sflag:$0x3] =	stream.linear.gather [hbm4b:s14+s4], $0x50, $0x38;
	[tilespmem:$0x1B5D0] =	vst v63  }
0x2c: {  	_ =	swait.ge [sflag:s0], $0x50  }
0x2d: {  	[sflag:s0] =	ssyncset.done $0x0  }
0x2e: {  	[sflag:s0] =	ssyncadd.s32 $0xFFFFFFB0  }
0x2f: {  	[spmem:s2] =	stream.indirect.scatter [tilespmem:s31], [sflag:$0x3], $0x80, s4, s8, $0xb8;
	[tilespmem:$0x1B5D0] =	vst v63  }
0x30: {  	_ =	swait.ge [sflag:s0], $0x2800  }
0x31: {  	[sflag:s0] =	ssyncset.done $0x0  }
0x32: {  	[sflag:s0] =	ssyncadd.s32 $0xFFFFD800  }
0x33: {  	[spmem:s3] =	stream.indirect.scatter [tilespmem:s7], [sflag:$0x3], $0x10, s4, s8, $0xb8;
	[tilespmem:$0x1B5D0] =	vst v63  }
0x34: {  	_ =	swait.ge [sflag:s0], $0x500  }
0x35: {  	[sflag:s0] =	ssyncset.done $0x0  }
0x36: {  	s29 =	rddreg [dreg:$0xb];
	[sflag:s0] =	ssyncadd.s32 $0xFFFFFB00  }
0x37: {  	[tilespmem:s4], [sflag:$0x3] =	stream.linear.gather [hbm4b:s29+s4], $0x50, $0x38;
	[tilespmem:$0x1B5D0] =	vst v63  }
0x38: {  	_ =	swait.ge [sflag:s0], $0x50  }
0x39: {  	[sflag:s0] =	ssyncset.done $0x0  }
0x3a: {  	[sflag:s0] =	ssyncadd.s32 $0xFFFFFFB0  }
0x3b: {  	[spmem:s2] =	stream.indirect.scatter [tilespmem:s31], [sflag:$0x3], $0x80, s4, s8, $0xb8;
	[tilespmem:$0x1B5D0] =	vst v63  }
0x3c: {  	_ =	swait.ge [sflag:s0], $0x2800  }
0x3d: {  	[sflag:s0] =	ssyncset.done $0x0  }
0x3e: {  	[sflag:s0] =	ssyncadd.s32 $0xFFFFD800  }
0x3f: {  	[spmem:s3] =	stream.indirect.scatter [tilespmem:s7], [sflag:$0x3], $0x10, s4, s8, $0xb8;
	[tilespmem:$0x1B5D0] =	vst v63  }
0x40: {  	_ =	swait.ge [sflag:s0], $0x500  }
0x41: {  	[sflag:s0] =	ssyncset.done $0x0  }
0x42: {  	s20 =	rddreg [dreg:$0xd];
	[sflag:s0] =	ssyncadd.s32 $0xFFFFFB00  }
0x43: {  	[tilespmem:s4], [sflag:$0x3] =	stream.linear.gather [hbm4b:s20+s4], $0x50, $0x38;
	[tilespmem:$0x1B5D0] =	vst v63  }
0x44: {  	_ =	swait.ge [sflag:s0], $0x50  }
0x45: {  	[sflag:s0] =	ssyncset.done $0x0  }
0x46: {  	[sflag:s0] =	ssyncadd.s32 $0xFFFFFFB0  }
0x47: {  	[spmem:s2] =	stream.indirect.scatter [tilespmem:s31], [sflag:$0x3], $0x80, s4, s8, $0xb8;
	[tilespmem:$0x1B5D0] =	vst v63  }
0x48: {  	_ =	swait.ge [sflag:s0], $0x2800  }
0x49: {  	[sflag:s0] =	ssyncset.done $0x0  }
0x4a: {  	[sflag:s0] =	ssyncadd.s32 $0xFFFFD800  }
0x4b: {  	[spmem:s3] =	stream.indirect.scatter [tilespmem:s7], [sflag:$0x3], $0x10, s4, s8, $0xb8;
	[tilespmem:$0x1B5D0] =	vst v63  }
0x4c: {  	_ =	swait.ge [sflag:s0], $0x500  }
0x4d: {  	[sflag:s0] =	ssyncset.done $0x0  }
0x4e: {  	s21 =	rddreg [dreg:$0xf];
	[sflag:s0] =	ssyncadd.s32 $0xFFFFFB00  }
0x4f: {  	[tilespmem:s4], [sflag:$0x3] =	stream.linear.gather [hbm4b:s21+s4], $0x50, $0x38;
	[tilespmem:$0x1B5D0] =	vst v63  }
0x50: {  	_ =	swait.ge [sflag:s0], $0x50  }
0x51: {  	[sflag:s0] =	ssyncset.done $0x0  }
0x52: {  	[sflag:s0] =	ssyncadd.s32 $0xFFFFFFB0  }
0x53: {  	[spmem:s2] =	stream.indirect.scatter [tilespmem:s31], [sflag:$0x3], $0x80, s4, s8, $0xb8;
	[tilespmem:$0x1B5D0] =	vst v63  }
0x54: {  	_ =	swait.ge [sflag:s0], $0x2800  }
0x55: {  	[sflag:s0] =	ssyncset.done $0x0  }
0x56: {  	[sflag:s0] =	ssyncadd.s32 $0xFFFFD800  }
0x57: {  	[spmem:s3] =	stream.indirect.scatter [tilespmem:s7], [sflag:$0x3], $0x10, s4, s8, $0xb8;
	[tilespmem:$0x1B5D0] =	vst v63  }
0x58: {  	_ =	swait.ge [sflag:s0], $0x500  }
0x59: {  	[sflag:s0] =	ssyncset.done $0x0  }
0x5a: {  	s26 =	rddreg [dreg:$0x10];
	[sflag:s0] =	ssyncadd.s32 $0xFFFFFB00  }
0x5b: {  	[tilespmem:s4], [sflag:$0x3] =	stream.linear.gather [hbm4b:s26+s4], $0x50, $0x38;
	[tilespmem:$0x1B5D0] =	vst v63  }
0x5c: {  	_ =	swait.ge [sflag:s0], $0x50  }
0x5d: {  	[sflag:s0] =	ssyncset.done $0x0  }
0x5e: {  	[sflag:s0] =	ssyncadd.s32 $0xFFFFFFB0  }
0x5f: {  	[spmem:s2] =	stream.indirect.scatter [tilespmem:s31], [sflag:$0x3], $0x80, s4, s8, $0xb8;
	[tilespmem:$0x1B5D0] =	vst v63  }
0x60: {  	_ =	swait.ge [sflag:s0], $0x2800  }
0x61: {  	[sflag:s0] =	ssyncset.done $0x0  }
0x62: {  	[sflag:s0] =	ssyncadd.s32 $0xFFFFD800  }
0x63: {  	[spmem:s3] =	stream.indirect.scatter [tilespmem:s7], [sflag:$0x3], $0x10, s4, s8, $0xb8;
	[tilespmem:$0x1B5D0] =	vst v63  }
0x64: {  	_ =	swait.ge [sflag:s0], $0x500  }
0x65: {  	[sflag:s0] =	ssyncset.done $0x0  }
0x66: {  	s28 =	rddreg [dreg:$0x11];
	[sflag:s0] =	ssyncadd.s32 $0xFFFFFB00  }
0x67: {  	[tilespmem:s4], [sflag:$0x3] =	stream.linear.gather [hbm4b:s28+s4], $0x50, $0x38;
	[tilespmem:$0x1B5D0] =	vst v63  }
0x68: {  	_ =	swait.ge [sflag:s0], $0x50  }
0x69: {  	[sflag:s0] =	ssyncset.done $0x0  }
0x6a: {  	[sflag:s0] =	ssyncadd.s32 $0xFFFFFFB0  }
0x6b: {  	[spmem:s2] =	stream.indirect.scatter [tilespmem:s31], [sflag:$0x3], $0x80, s4, s8, $0xb8;
	[tilespmem:$0x1B5D0] =	vst v63  }
0x6c: {  	_ =	swait.ge [sflag:s0], $0x2800  }
0x6d: {  	[sflag:s0] =	ssyncset.done $0x0  }
0x6e: {  	[sflag:s0] =	ssyncadd.s32 $0xFFFFD800  }
0x6f: {  	[spmem:s3] =	stream.indirect.scatter [tilespmem:s7], [sflag:$0x3], $0x10, s4, s8, $0xb8;
	[tilespmem:$0x1B5D0] =	vst v63  }
0x70: {  	_ =	swait.ge [sflag:s0], $0x500  }
0x71: {  	[sflag:s0] =	ssyncset.done $0x0  }
0x72: {  	[sflag:s0] =	ssyncadd.s32 $0xFFFFFB00  }
0x73: {  	[tilespmem:s4], [sflag:$0x3] =	stream.linear.gather [hbm4b:s30+s4], $0x50, $0x38;
	[tilespmem:$0x1B5D0] =	vst v63  }
0x74: {  	_ =	swait.ge [sflag:s0], $0x50  }
0x75: {  	[sflag:s0] =	ssyncset.done $0x0  }
0x76: {  	[sflag:s0] =	ssyncadd.s32 $0xFFFFFFB0  }
0x77: {  	[spmem:s2] =	stream.indirect.scatter [tilespmem:s31], [sflag:$0x3], $0x80, s4, s8, $0xb8;
	[tilespmem:$0x1B5D0] =	vst v63  }
0x78: {  	_ =	swait.ge [sflag:s0], $0x2800  }
0x79: {  	[sflag:s0] =	ssyncset.done $0x0  }
0x7a: {  	[sflag:s0] =	ssyncadd.s32 $0xFFFFD800  }
0x7b: {  	[spmem:s3] =	stream.indirect.scatter [tilespmem:s7], [sflag:$0x3], $0x10, s4, s8, $0xb8;
	[tilespmem:$0x1B5D0] =	vst v63  }
0x7c: {  	_ =	swait.ge [sflag:s0], $0x500  }
0x7d: {  	[sflag:s0] =	ssyncset.done $0x0  }
0x7e: {  	[sflag:s0] =	ssyncadd.s32 $0xFFFFFB00  }
0x7f: {  	[tilespmem:s4], [sflag:$0x3] =	stream.linear.gather [hbm4b:s16+s4], $0x50, $0x38;
	[tilespmem:$0x1B5D0] =	vst v63  }
0x80: {  	_ =	swait.ge [sflag:s0], $0x50  }
0x81: {  	[sflag:s0] =	ssyncset.done $0x0  }
0x82: {  	[sflag:s0] =	ssyncadd.s32 $0xFFFFFFB0  }
0x83: {  	[spmem:s2] =	stream.indirect.scatter [tilespmem:s31], [sflag:$0x3], $0x80, s4, s8, $0xb8;
	[tilespmem:$0x1B5D0] =	vst v63  }
0x84: {  	_ =	swait.ge [sflag:s0], $0x2800  }
0x85: {  	[sflag:s0] =	ssyncset.done $0x0  }
0x86: {  	[sflag:s0] =	ssyncadd.s32 $0xFFFFD800  }
0x87: {  	[spmem:s3] =	stream.indirect.scatter [tilespmem:s7], [sflag:$0x3], $0x10, s4, s8, $0xb8;
	[tilespmem:$0x1B5D0] =	vst v63  }
0x88: {  	_ =	swait.ge [sflag:s0], $0x500  }
0x89: {  	[sflag:s0] =	ssyncset.done $0x0  }
0x8a: {  	s29 =	rddreg [dreg:$0x7];
	[sflag:s0] =	ssyncadd.s32 $0xFFFFFB00  }
0x8b: {  	[tilespmem:s7], [sflag:$0x3] =	stream.linear.gather [hbm4b:s29+s4], $0x500, $0x38;
	[tilespmem:$0x1B5D0] =	vst v63  }
0x8c: {  	_ =	swait.ge [sflag:s0], $0x500  }
0x8d: {  	[sflag:s0] =	ssyncset.done $0x0  }
0x8e: {  	[sflag:s0] =	ssyncadd.s32 $0xFFFFFB00  }
0x8f: {  	[bflag:$0x0] =	sbarrier.arrive $0xFFFF  }
0x90: {  	s20 =	rddreg [dreg:$0x8]  }
0x91: {  	[tilespmem:s4], [sflag:$0x3] =	stream.linear.gather [hbm4b:s20+s4], $0x50, $0x38;
	[tilespmem:$0x1B5D0] =	vst v63  }
0x92: {  	_ =	swait.ge [sflag:s0], $0x50  }
0x93: {  	[sflag:s0] =	ssyncset.done $0x0  }
0x94: {  	s21 =	rddreg [dreg:$0x9];
	[sflag:s0] =	ssyncadd.s32 $0xFFFFFFB0  }
0x95: {  	[tilespmem:s8], [sflag:$0x3] =	stream.linear.gather [hbm4b:s21+s4], $0x50, $0x38;
	[tilespmem:$0x1B5D0] =	vst v63  }
0x96: {  	_ =	swait.ge [sflag:s0], $0x50  }
0x97: {  	[sflag:s0] =	ssyncset.done $0x0  }
0x98: {  	[sflag:s0] =	ssyncadd.s32 $0xFFFFFFB0  }
0x99: {  	[tilespmem:s31], [sflag:$0x1] =	stream.indirect.gather [hbm4b:s1+s8], $0x80, s4, s8, $0xb8;
	[tilespmem:$0x1B5D0] =	vst v63  }
0x9a: {  	s26 =	sadd.s32 $0x0, s25  }
0x9b: {  	[tilespmem:s9], [sflag:$0x3] =	stream.linear.gather [hbm4b:s26+s4], $0x50, $0x38;
	[tilespmem:$0x1B5D0] =	vst v63  }
0x9c: {  	_ =	swait.ge [sflag:s0], $0x50  }
0x9d: {  	[sflag:s0] =	ssyncset.done $0x0  }
0x9e: {  	s28 =	sadd.s32 $0x0, s24;
	[sflag:s0] =	ssyncadd.s32 $0xFFFFFFB0  }
0x9f: {  	[tilespmem:s10], [sflag:$0x3] =	stream.linear.gather [hbm4b:s28+s4], $0x50, $0x38;
	[tilespmem:$0x1B5D0] =	vst v63  }
0xa0: {  	_ =	swait.ge [sflag:s0], $0x50  }
0xa1: {  	[sflag:s0] =	ssyncset.done $0x0  }
0xa2: {  	[sflag:s0] =	ssyncadd.s32 $0xFFFFFFB0  }
0xa3: {  	[tilespmem:s11], [sflag:$0x2] =	stream.indirect.gather [hbm4b:s1+s8], $0x80, s9, s8, $0xb8;
	[tilespmem:$0x1B5D0] =	vst v63  }
0xa4: {  	_ =	swait.ge [sflag:s12], $0x2800  }
0xa5: {  	[sflag:s12] =	ssyncset.done $0x0  }
0xa6: {  	[sflag:s12] =	ssyncadd.s32 $0xFFFFD800  }
0xa7: {  	[spmem:s2] =	stream.indirect.scatter.add.f32 [tilespmem:s31], [sflag:$0x3], $0x80, s8, s8, $0xb8;
	[tilespmem:$0x1B5D0] =	vst v63  }
0xa8: {  	_ =	swait.ge [sflag:s0], $0x2800  }
0xa9: {  	[sflag:s0] =	ssyncset.done $0x0  }
0xaa: {  	[sflag:s0] =	ssyncadd.s32 $0xFFFFD800  }
0xab: {  	[spmem:s3] =	stream.indirect.scatter.add.f32 [tilespmem:s7], [sflag:$0x3], $0x10, s8, s8, $0xb8;
	[tilespmem:$0x1B5D0] =	vst v63  }
0xac: {  	_ =	swait.ge [sflag:s0], $0x500  }
0xad: {  	s29 =	sshrl.u32 s22, $0x3;
	[sflag:s0] =	ssyncset.done $0x0  }
0xae: {  	s20 =	sadd.s32 s5, s29;
	[sflag:s0] =	ssyncadd.s32 $0xFFFFFB00  }
0xaf: {  	[tilespmem:s4], [sflag:$0x3] =	stream.linear.gather [hbm4b:s20+s4], $0x50, $0x38;
	[tilespmem:$0x1B5D0] =	vst v63  }
0xb0: {  	_ =	swait.ge [sflag:s0], $0x50  }
0xb1: {  	[sflag:s0] =	ssyncset.done $0x0  }
0xb2: {  	s17 =	sadd.s32 s6, s29;
	[sflag:s0] =	ssyncadd.s32 $0xFFFFFFB0  }
0xb3: {  	[tilespmem:s8], [sflag:$0x3] =	stream.linear.gather [hbm4b:s17+s4], $0x50, $0x38;
	[tilespmem:$0x1B5D0] =	vst v63  }
0xb4: {  	_ =	swait.ge [sflag:s0], $0x50  }
0xb5: {  	[sflag:s0] =	ssyncset.done $0x0  }
0xb6: {  	[sflag:s0] =	ssyncadd.s32 $0xFFFFFFB0  }
0xb7: {  	[tilespmem:s31], [sflag:$0x1] =	stream.indirect.gather [hbm4b:s1+s8], $0x80, s4, s8, $0xb8;
	[tilespmem:$0x1B5D0] =	vst v63  }
0xb8: {  	_ =	swait.ge [sflag:s13], $0x2800  }
0xb9: {  	[sflag:s13] =	ssyncset.done $0x0  }
0xba: {  	[sflag:s13] =	ssyncadd.s32 $0xFFFFD800  }
0xbb: {  	[spmem:s2] =	stream.indirect.scatter.add.f32 [tilespmem:s11], [sflag:$0x3], $0x80, s10, s8, $0xb8;
	[tilespmem:$0x1B5D0] =	vst v63  }
0xbc: {  	_ =	swait.ge [sflag:s0], $0x2800  }
0xbd: {  	[sflag:s0] =	ssyncset.done $0x0  }
0xbe: {  	[sflag:s0] =	ssyncadd.s32 $0xFFFFD800  }
0xbf: {  	[spmem:s3] =	stream.indirect.scatter.add.f32 [tilespmem:s7], [sflag:$0x3], $0x10, s10, s8, $0xb8;
	[tilespmem:$0x1B5D0] =	vst v63  }
0xc0: {  	s26 =	simm.s32 $0x28;
	_ =	swait.ge [sflag:s0], $0x500  }
0xc1: {  	s20 =	simm.s32 $0x14;
	s17 =	sadd.s32 $0xA0, s22;
	[sflag:s0] =	ssyncset.done $0x0  }
.LBB2_2:
0xc2: {  	s28 =	sadd.s32 s20, s25  }
0xc3: {  	[sflag:s0] =	ssyncadd.s32 $0xFFFFFB00;
	s29 =	smov.u32 s26;
	s21 =	sadd.s32 $0x14, s26  }
0xc4: {  	[tilespmem:s9], [sflag:$0x3] =	stream.linear.gather [hbm4b:s28+s4], $0x50, $0x38;
	[tilespmem:$0x1B5D0] =	vst v63  }
0xc5: {  	p0 =	sne.s32 s26, $0x4C4;
	_ =	swait.ge [sflag:s0], $0x50  }
0xc6: {  	[sflag:s0] =	ssyncset.done $0x0  }
0xc7: {  	s26 =	sadd.s32 s20, s24;
	s20 =	smov.u32 s29;
	[sflag:s0] =	ssyncadd.s32 $0xFFFFFFB0  }
0xc8: {  	[tilespmem:s10], [sflag:$0x3] =	stream.linear.gather [hbm4b:s26+s4], $0x50, $0x38;
	[tilespmem:$0x1B5D0] =	vst v63  }
0xc9: {  	_ =	swait.ge [sflag:s0], $0x50  }
0xca: {  	[sflag:s0] =	ssyncset.done $0x0  }
0xcb: {  	[sflag:s0] =	ssyncadd.s32 $0xFFFFFFB0  }
0xcc: {  	[tilespmem:s11], [sflag:$0x2] =	stream.indirect.gather [hbm4b:s1+s8], $0x80, s9, s8, $0xb8;
	[tilespmem:$0x1B5D0] =	vst v63  }
0xcd: {  	_ =	swait.ge [sflag:s12], $0x2800  }
0xce: {  	[sflag:s12] =	ssyncset.done $0x0  }
0xcf: {  	[sflag:s12] =	ssyncadd.s32 $0xFFFFD800  }
0xd0: {  	[spmem:s2] =	stream.indirect.scatter.add.f32 [tilespmem:s31], [sflag:$0x3], $0x80, s8, s8, $0xb8;
	[tilespmem:$0x1B5D0] =	vst v63  }
0xd1: {  	_ =	swait.ge [sflag:s0], $0x2800  }
0xd2: {  	[sflag:s0] =	ssyncset.done $0x0  }
0xd3: {  	[sflag:s0] =	ssyncadd.s32 $0xFFFFD800  }
0xd4: {  	[spmem:s3] =	stream.indirect.scatter.add.f32 [tilespmem:s7], [sflag:$0x3], $0x10, s8, s8, $0xb8;
	[tilespmem:$0x1B5D0] =	vst v63  }
0xd5: {  	_ =	swait.ge [sflag:s0], $0x500  }
0xd6: {  	s26 =	sshrl.u32 s17, $0x3;
	[sflag:s0] =	ssyncset.done $0x0  }
0xd7: {  	s28 =	sadd.s32 s5, s26;
	[sflag:s0] =	ssyncadd.s32 $0xFFFFFB00  }
0xd8: {  	[tilespmem:s4], [sflag:$0x3] =	stream.linear.gather [hbm4b:s28+s4], $0x50, $0x38;
	[tilespmem:$0x1B5D0] =	vst v63  }
0xd9: {  	_ =	swait.ge [sflag:s0], $0x50  }
0xda: {  	[sflag:s0] =	ssyncset.done $0x0  }
0xdb: {  	s26 =	sadd.s32 s6, s26;
	[sflag:s0] =	ssyncadd.s32 $0xFFFFFFB0  }
0xdc: {  	[tilespmem:s8], [sflag:$0x3] =	stream.linear.gather [hbm4b:s26+s4], $0x50, $0x38;
	[tilespmem:$0x1B5D0] =	vst v63  }
0xdd: {  	_ =	swait.ge [sflag:s0], $0x50  }
0xde: {  	[sflag:s0] =	ssyncset.done $0x0  }
0xdf: {  	[sflag:s0] =	ssyncadd.s32 $0xFFFFFFB0  }
0xe0: {  	[tilespmem:s31], [sflag:$0x1] =	stream.indirect.gather [hbm4b:s1+s8], $0x80, s4, s8, $0xb8;
	[tilespmem:$0x1B5D0] =	vst v63  }
0xe1: {  	_ =	swait.ge [sflag:s13], $0x2800  }
0xe2: {  	[sflag:s13] =	ssyncset.done $0x0  }
0xe3: {  	[sflag:s13] =	ssyncadd.s32 $0xFFFFD800  }
0xe4: {  	[spmem:s2] =	stream.indirect.scatter.add.f32 [tilespmem:s11], [sflag:$0x3], $0x80, s10, s8, $0xb8;
	[tilespmem:$0x1B5D0] =	vst v63  }
0xe5: {  	_ =	swait.ge [sflag:s0], $0x2800  }
.Ltmp0:
0xe6: {  	[sflag:s0] =	ssyncset.done $0x0;
	(pc) =	sbr.rel @p0 .LBB2_2-.Ltmp0, $4  }
0xe7: {  	[sflag:s0] =	ssyncadd.s32 $0xFFFFD800  }
0xe8: {  	[spmem:s3] =	stream.indirect.scatter.add.f32 [tilespmem:s7], [sflag:$0x3], $0x10, s10, s8, $0xb8;
	[tilespmem:$0x1B5D0] =	vst v63  }
0xe9: {  	_ =	swait.ge [sflag:s0], $0x500  }
0xea: {  	s17 =	sadd.s32 $0xA0, s17;
	s26 =	smov.u32 s21;
	[sflag:s0] =	ssyncset.done $0x0  }
0xeb: {  	s21 =	sadd.s32 s20, s25;
	[sflag:s0] =	ssyncadd.s32 $0xFFFFFB00  }
0xec: {  	[tilespmem:s9], [sflag:$0x3] =	stream.linear.gather [hbm4b:s21+s4], $0x50, $0x38;
	[tilespmem:$0x1B5D0] =	vst v63  }
0xed: {  	_ =	swait.ge [sflag:s0], $0x50  }
0xee: {  	[sflag:s0] =	ssyncset.done $0x0  }
0xef: {  	s26 =	sadd.s32 s20, s24;
	[sflag:s0] =	ssyncadd.s32 $0xFFFFFFB0  }
0xf0: {  	[tilespmem:s10], [sflag:$0x3] =	stream.linear.gather [hbm4b:s26+s4], $0x50, $0x38;
	[tilespmem:$0x1B5D0] =	vst v63  }
0xf1: {  	_ =	swait.ge [sflag:s0], $0x50  }
0xf2: {  	[sflag:s0] =	ssyncset.done $0x0  }
0xf3: {  	[sflag:s0] =	ssyncadd.s32 $0xFFFFFFB0  }
0xf4: {  	[tilespmem:s11], [sflag:$0x2] =	stream.indirect.gather [hbm4b:s1+s8], $0x80, s9, s8, $0xb8;
	[tilespmem:$0x1B5D0] =	vst v63  }
0xf5: {  	_ =	swait.ge [sflag:s12], $0x2800  }
0xf6: {  	[sflag:s12] =	ssyncset.done $0x0  }
0xf7: {  	[sflag:s12] =	ssyncadd.s32 $0xFFFFD800  }
0xf8: {  	[spmem:s2] =	stream.indirect.scatter.add.f32 [tilespmem:s31], [sflag:$0x3], $0x80, s8, s8, $0xb8;
	[tilespmem:$0x1B5D0] =	vst v63  }
0xf9: {  	_ =	swait.ge [sflag:s0], $0x2800  }
0xfa: {  	[sflag:s0] =	ssyncset.done $0x0  }
0xfb: {  	[sflag:s0] =	ssyncadd.s32 $0xFFFFD800  }
0xfc: {  	[spmem:s3] =	stream.indirect.scatter.add.f32 [tilespmem:s7], [sflag:$0x3], $0x10, s8, s8, $0xb8;
	[tilespmem:$0x1B5D0] =	vst v63  }
0xfd: {  	_ =	swait.ge [sflag:s0], $0x500  }
0xfe: {  	s17 =	sshrl.u32 s17, $0x3;
	[sflag:s0] =	ssyncset.done $0x0  }
0xff: {  	s28 =	sadd.s32 s5, s17;
	[sflag:s0] =	ssyncadd.s32 $0xFFFFFB00  }
0x100: {  	[tilespmem:s4], [sflag:$0x3] =	stream.linear.gather [hbm4b:s28+s4], $0x50, $0x38;
	[tilespmem:$0x1B5D0] =	vst v63  }
0x101: {  	_ =	swait.ge [sflag:s0], $0x50  }
0x102: {  	[sflag:s0] =	ssyncset.done $0x0  }
0x103: {  	s17 =	sadd.s32 s6, s17;
	[sflag:s0] =	ssyncadd.s32 $0xFFFFFFB0  }
0x104: {  	[tilespmem:s8], [sflag:$0x3] =	stream.linear.gather [hbm4b:s17+s4], $0x50, $0x38;
	[tilespmem:$0x1B5D0] =	vst v63  }
0x105: {  	_ =	swait.ge [sflag:s0], $0x50  }
0x106: {  	[sflag:s0] =	ssyncset.done $0x0  }
0x107: {  	[sflag:s0] =	ssyncadd.s32 $0xFFFFFFB0  }
0x108: {  	[tilespmem:s31], [sflag:$0x1] =	stream.indirect.gather [hbm4b:s1+s8], $0x80, s4, s8, $0xb8;
	[tilespmem:$0x1B5D0] =	vst v63  }
0x109: {  	_ =	swait.ge [sflag:s13], $0x2800  }
0x10a: {  	[sflag:s13] =	ssyncset.done $0x0  }
0x10b: {  	[sflag:s13] =	ssyncadd.s32 $0xFFFFD800  }
0x10c: {  	[spmem:s2] =	stream.indirect.scatter.add.f32 [tilespmem:s11], [sflag:$0x3], $0x80, s10, s8, $0xb8;
	[tilespmem:$0x1B5D0] =	vst v63  }
0x10d: {  	_ =	swait.ge [sflag:s0], $0x2800  }
0x10e: {  	[sflag:s0] =	ssyncset.done $0x0  }
0x10f: {  	[sflag:s0] =	ssyncadd.s32 $0xFFFFD800  }
0x110: {  	[spmem:s3] =	stream.indirect.scatter.add.f32 [tilespmem:s7], [sflag:$0x3], $0x10, s10, s8, $0xb8;
	[tilespmem:$0x1B5D0] =	vst v63  }
0x111: {  	_ =	swait.ge [sflag:s0], $0x500  }
0x112: {  	[sflag:s0] =	ssyncset.done $0x0  }
0x113: {  	[sflag:s0] =	ssyncadd.s32 $0xFFFFFB00  }
0x114: {  	_ =	swait.ge [sflag:s12], $0x2800  }
0x115: {  	[sflag:s12] =	ssyncset.done $0x0  }
0x116: {  	[sflag:s12] =	ssyncadd.s32 $0xFFFFD800  }
0x117: {  	[spmem:s2] =	stream.indirect.scatter.add.f32 [tilespmem:s31], [sflag:$0x3], $0x80, s8, s8, $0xb8;
	[tilespmem:$0x1B5D0] =	vst v63  }
0x118: {  	_ =	swait.ge [sflag:s0], $0x2800  }
0x119: {  	[sflag:s0] =	ssyncset.done $0x0  }
0x11a: {  	[sflag:s0] =	ssyncadd.s32 $0xFFFFD800  }
0x11b: {  	[spmem:s3] =	stream.indirect.scatter.add.f32 [tilespmem:s7], [sflag:$0x3], $0x10, s8, s8, $0xb8;
	[tilespmem:$0x1B5D0] =	vst v63  }
0x11c: {  	_ =	swait.ge [sflag:s0], $0x500  }
0x11d: {  	[sflag:s0] =	ssyncset.done $0x0  }
0x11e: {  	[sflag:s0] =	ssyncadd.s32 $0xFFFFFB00  }
0x11f: {  	s29 =	sadd.s32 $0x0, s18;
	[bflag:$0x0] =	sbarrier.arrive $0xFFFF  }
0x120: {  	[tilespmem:s4], [sflag:$0x3] =	stream.linear.gather [hbm4b:s29+s4], $0x50, $0x38;
	[tilespmem:$0x1B5D0] =	vst v63  }
0x121: {  	_ =	swait.ge [sflag:s0], $0x50  }
0x122: {  	[sflag:s0] =	ssyncset.done $0x0  }
0x123: {  	[sflag:s0] =	ssyncadd.s32 $0xFFFFFFB0  }
0x124: {  	[tilespmem:s31], [sflag:$0x1] =	stream.indirect.gather [spmem:s2], $0x80, s4, s8, $0xb8;
	[tilespmem:$0x1B5D0] =	vst v63  }
0x125: {  	_ =	swait.ge [sflag:s12], $0x2800  }
0x126: {  	[sflag:s12] =	ssyncset.done $0x0  }
0x127: {  	[sflag:s12] =	ssyncadd.s32 $0xFFFFD800  }
0x128: {  	[hbm4b:s19+s4] =	stream.linear.scatter [tilespmem:s31], [sflag:$0x3], $0x2800, $0x38;
	[tilespmem:$0x1B5D0] =	vst v63  }
0x129: {  	_ =	swait.ge [sflag:s0], $0x2800  }
0x12a: {  	[sflag:s0] =	ssyncset.done $0x0  }
0x12b: {  	[sflag:s0] =	ssyncadd.s32 $0xFFFFD800  }
0x12c: {  	[tilespmem:s7], [sflag:$0x1] =	stream.indirect.gather [spmem:s3], $0x10, s4, s8, $0xb8;
	[tilespmem:$0x1B5D0] =	vst v63  }
0x12d: {  	_ =	swait.ge [sflag:s12], $0x500  }
0x12e: {  	[sflag:s12] =	ssyncset.done $0x0  }
0x12f: {  	[sflag:s12] =	ssyncadd.s32 $0xFFFFFB00  }
0x130: {  	[hbm4b:s23+s4] =	stream.linear.scatter [tilespmem:s7], [sflag:$0x3], $0x500, $0x38;
	[tilespmem:$0x1B5D0] =	vst v63  }
0x131: {  	s20 =	sadd.s32 $0x500, s19;
	s21 =	simm.s32 $0xA;
	_ =	swait.ge [sflag:s0], $0x500  }
0x132: {  	s26 =	simm.s32 $0x14;
	s17 =	sadd.s32 $0xA0, s23;
	[sflag:s0] =	ssyncset.done $0x0  }
.LBB2_4:
0x133: {  	s28 =	sadd.s32 s21, s18  }
0x134: {  	[sflag:s0] =	ssyncadd.s32 $0xFFFFFB00;
	s21 =	smov.u32 s26;
	s29 =	sadd.s32 $0xA, s26  }
0x135: {  	[tilespmem:s4], [sflag:$0x3] =	stream.linear.gather [hbm4b:s28+s4], $0x50, $0x38;
	[tilespmem:$0x1B5D0] =	vst v63  }
0x136: {  	p0 =	sne.s32 s26, $0x3C;
	_ =	swait.ge [sflag:s0], $0x50  }
0x137: {  	[sflag:s0] =	ssyncset.done $0x0  }
0x138: {  	[sflag:s0] =	ssyncadd.s32 $0xFFFFFFB0  }
0x139: {  	[tilespmem:s31], [sflag:$0x1] =	stream.indirect.gather [spmem:s2], $0x80, s4, s8, $0xb8;
	[tilespmem:$0x1B5D0] =	vst v63  }
0x13a: {  	_ =	swait.ge [sflag:s12], $0x2800  }
0x13b: {  	[sflag:s12] =	ssyncset.done $0x0  }
0x13c: {  	[sflag:s12] =	ssyncadd.s32 $0xFFFFD800  }
0x13d: {  	[hbm4b:s20+s4] =	stream.linear.scatter [tilespmem:s31], [sflag:$0x3], $0x2800, $0x38;
	[tilespmem:$0x1B5D0] =	vst v63  }
0x13e: {  	_ =	swait.ge [sflag:s0], $0x2800  }
0x13f: {  	[sflag:s0] =	ssyncset.done $0x0  }
0x140: {  	[sflag:s0] =	ssyncadd.s32 $0xFFFFD800  }
0x141: {  	[tilespmem:s7], [sflag:$0x1] =	stream.indirect.gather [spmem:s3], $0x10, s4, s8, $0xb8;
	[tilespmem:$0x1B5D0] =	vst v63  }
0x142: {  	_ =	swait.ge [sflag:s12], $0x500  }
.Ltmp1:
0x143: {  	[sflag:s12] =	ssyncset.done $0x0;
	(pc) =	sbr.rel @p0 .LBB2_4-.Ltmp1, $4  }
0x144: {  	[sflag:s12] =	ssyncadd.s32 $0xFFFFFB00  }
0x145: {  	[hbm4b:s17+s4] =	stream.linear.scatter [tilespmem:s7], [sflag:$0x3], $0x500, $0x38;
	[tilespmem:$0x1B5D0] =	vst v63  }
0x146: {  	s26 =	smov.u32 s29;
	_ =	swait.ge [sflag:s0], $0x500  }
0x147: {  	s20 =	sadd.s32 $0x500, s20;
	s17 =	sadd.s32 $0xA0, s17;
	[sflag:s0] =	ssyncset.done $0x0  }
0x148: {  	s21 =	sadd.s32 s21, s18;
	[sflag:s0] =	ssyncadd.s32 $0xFFFFFB00  }
0x149: {  	[tilespmem:s4], [sflag:$0x3] =	stream.linear.gather [hbm4b:s21+s4], $0x50, $0x38;
	[tilespmem:$0x1B5D0] =	vst v63  }
0x14a: {  	_ =	swait.ge [sflag:s0], $0x50  }
0x14b: {  	[sflag:s0] =	ssyncset.done $0x0  }
0x14c: {  	[sflag:s0] =	ssyncadd.s32 $0xFFFFFFB0  }
0x14d: {  	[tilespmem:s31], [sflag:$0x1] =	stream.indirect.gather [spmem:s2], $0x80, s4, s8, $0xb8;
	[tilespmem:$0x1B5D0] =	vst v63  }
0x14e: {  	_ =	swait.ge [sflag:s12], $0x2800  }
0x14f: {  	[sflag:s12] =	ssyncset.done $0x0  }
0x150: {  	[sflag:s12] =	ssyncadd.s32 $0xFFFFD800  }
0x151: {  	[hbm4b:s20+s4] =	stream.linear.scatter [tilespmem:s31], [sflag:$0x3], $0x2800, $0x38;
	[tilespmem:$0x1B5D0] =	vst v63  }
0x152: {  	_ =	swait.ge [sflag:s0], $0x2800  }
0x153: {  	[sflag:s0] =	ssyncset.done $0x0  }
0x154: {  	[sflag:s0] =	ssyncadd.s32 $0xFFFFD800  }
0x155: {  	[tilespmem:s7], [sflag:$0x1] =	stream.indirect.gather [spmem:s3], $0x10, s4, s8, $0xb8;
	[tilespmem:$0x1B5D0] =	vst v63  }
0x156: {  	_ =	swait.ge [sflag:s12], $0x500  }
0x157: {  	[sflag:s12] =	ssyncset.done $0x0  }
0x158: {  	[sflag:s12] =	ssyncadd.s32 $0xFFFFFB00  }
0x159: {  	[hbm4b:s17+s4] =	stream.linear.scatter [tilespmem:s7], [sflag:$0x3], $0x500, $0x38;
	[tilespmem:$0x1B5D0] =	vst v63  }
0x15a: {  	_ =	swait.ge [sflag:s0], $0x500  }
0x15b: {  	[sflag:s0] =	ssyncset.done $0x0  }
0x15c: {  	[sflag:s0] =	ssyncadd.s32 $0xFFFFFB00  }
0x15d: {  	[tilespmem:s4], [sflag:$0x3] =	stream.linear.gather [hbm4b:s16+s4], $0x50, $0x38;
	[tilespmem:$0x1B5D0] =	vst v63  }
0x15e: {  	_ =	swait.ge [sflag:s0], $0x50  }
0x15f: {  	[sflag:s0] =	ssyncset.done $0x0  }
0x160: {  	[sflag:s0] =	ssyncadd.s32 $0xFFFFFFB0  }
0x161: {  	[tilespmem:s31], [sflag:$0x1] =	stream.indirect.gather [spmem:s2], $0x80, s4, s8, $0xb8;
	[tilespmem:$0x1B5D0] =	vst v63  }
0x162: {  	_ =	swait.ge [sflag:s12], $0x2800  }
0x163: {  	[sflag:s12] =	ssyncset.done $0x0  }
0x164: {  	s26 =	rddreg [dreg:$0xc];
	[sflag:s12] =	ssyncadd.s32 $0xFFFFD800  }
0x165: {  	[hbm4b:s26+s4] =	stream.linear.scatter [tilespmem:s31], [sflag:$0x3], $0x2800, $0x38;
	[tilespmem:$0x1B5D0] =	vst v63  }
0x166: {  	_ =	swait.ge [sflag:s0], $0x2800  }
0x167: {  	[sflag:s0] =	ssyncset.done $0x0  }
0x168: {  	[sflag:s0] =	ssyncadd.s32 $0xFFFFD800  }
0x169: {  	[tilespmem:s7], [sflag:$0x1] =	stream.indirect.gather [spmem:s3], $0x10, s4, s8, $0xb8;
	[tilespmem:$0x1B5D0] =	vst v63  }
0x16a: {  	_ =	swait.ge [sflag:s12], $0x500  }
0x16b: {  	[sflag:s12] =	ssyncset.done $0x0  }
0x16c: {  	s28 =	rddreg [dreg:$0xe];
	[sflag:s12] =	ssyncadd.s32 $0xFFFFFB00  }
0x16d: {  	[hbm4b:s28+s4] =	stream.linear.scatter [tilespmem:s7], [sflag:$0x3], $0x500, $0x38;
	[tilespmem:$0x1B5D0] =	vst v63  }
0x16e: {  	_ =	swait.ge [sflag:s0], $0x500  }
0x16f: {  	s15 =	sadd.s32 $0x1, s15;
	s29 =	rddreg [dreg:$0xa]  }
0x170: {  	p0 =	sne.s32 s15, s29  }
.Ltmp2:
0x171: {  	_ = 	snop;
	(pc) =	sbr.rel @p0 .LBB2_1-.Ltmp2, $3  }
0x172: {  	_ =	sdelay $0x1  }
0x173: {  	[sflag:s0] =	ssyncset.done $0x0  }
0x174: {  	[sflag:s0] =	ssyncadd.s32 $0xFFFFFB00  }
0x175: {  	_ =	sfence.sel $0x180000  }
0x176: {  	[bflag:$0x0] =	sbarrier.arrive $0xFFFF  }
0x177: {  	_ =	strace $0x9000004A  }
0x178: {  	s0 =	stileid.u32;
	[bflag:$0x2] =	sbarrier.arrive $0xFFFF  }
0x179: {  	p0 =	sne.s32 s0, $0x0;
	s0 =	rddreg [dreg:$0x4]  }
0x17a: {  	s0 =	sadd.s32 @!p0 $0x100000, s0  }
0x17b: {  	[sflag:s0] =	ssyncadd.tile.s32 @!p0 $0x1;
	_ =	shalt  }
.Lfunc_end2:
_tile_overlayer_lowered:
.L_overlay_start_2:
0x17c: {  	(tag) =	ssettag $0x2  }
0x17d: {  	s0 =	rddreg [dreg:$0x0];
	s2 =	stileid.u32  }
0x17e: {  	s1 =	rddreg [dreg:$0x1];
	p0 =	sne.s32 s2, $0x0  }
0x17f: {  	s3 =	rddreg [dreg:$0x2];
	[bflag:$0x3] =	sbarrier.arrive $0xFFFF;
	s2 =	simm.s32 @!p0 $0x1C03  }
0x180: {  	[timem:s3], [sflag:s2] =	dma.local @!p0 [hbm:s0], s1  }
0x181: {  	s0 =	simm.s32 @!p0 $0x3  }
0x182: {  	_ =	swait.ge @!p0 [sflag:s0], s1  }
0x183: {  	s1 =	ssub.s32 @!p0 $0x0, s1;
	[sflag:s0] =	ssyncset.done @!p0 $0x0  }
0x184: {  	[sflag:s0] =	ssyncadd.s32 @!p0 s1  }
0x185: {  	[bflag:$0x3] =	sbarrier.arrive $0xFFFF  }
0x186: {  	_ =	shalt  }

</sc_bundles>
